<compile_context>
chip_gen: v7x
topology: tpu7x:2x2x1
jax: 0.10.2.dev20260603
libtpu: 0.0.44.dev20260713+nightly
codegen_flags: <defaults>
</compile_context>

<pallas_src>
import functools

import jax
import jax.numpy as jnp
from jax import lax
from jax.experimental import pallas as pl
from jax.experimental.pallas import tpu as pltpu
from jax.experimental.pallas import tpu_sc as plsc

N, D, H, DH = 2048, 768, 12, 64
E, HID = 8, 3072
EP = 128
RB = 512
NEG = -1e30

GB = 256
NBLK = (2 * N) // GB + E - 1
P = NBLK * GB
A = 2 * N
CH = 512

NC, NS = 2, 16
NW = NC * NS
TPW = N // NW



def _mmb(a, b):
    return lax.dot_general(
        a.astype(jnp.bfloat16), b.astype(jnp.bfloat16),
        (((1,), (0,)), ((), ())), preferred_element_type=jnp.float32)

def _mmb_nt(a, b):
    return lax.dot_general(
        a.astype(jnp.bfloat16), b.astype(jnp.bfloat16),
        (((1,), (1,)), ((), ())), preferred_element_type=jnp.float32)


def _ln(x, g, b):
    m = jnp.mean(x, axis=-1, keepdims=True)
    v = jnp.mean((x - m) ** 2, axis=-1, keepdims=True)
    return (x - m) / jnp.sqrt(v + 1e-5) * g + b


def _ln_qkv_body(x_ref, g_ref, b_ref, w_ref, bias_ref, o_ref):
    xn = _ln(x_ref[...], g_ref[...], b_ref[...])
    o_ref[...] = _mmb(xn, w_ref[...]) + bias_ref[...]


def _attn_body(q_ref, k_ref, v_ref, o_ref):
    outs = []
    for hh in range(2):
        sl = slice(hh * DH, (hh + 1) * DH)
        q = q_ref[:, sl] * (DH ** -0.5)
        k = k_ref[:, sl]
        v = v_ref[:, sl]
        s = _mmb_nt(q, k)
        m = jnp.max(s, axis=-1, keepdims=True)
        p = jnp.exp(s - m)
        p = p / jnp.sum(p, axis=-1, keepdims=True)
        outs.append(_mmb(p, v))
    o_ref[...] = jnp.concatenate(outs, axis=1)


def _post_body(a_ref, wp_ref, bp_ref, x_ref, g_ref, b_ref, wr_ref,
               x2_ref, ridx_ref, rwt_ref):
    t = x_ref[...] + (_mmb(a_ref[...], wp_ref[...]) + bp_ref[...])
    x2 = _ln(t, g_ref[...], b_ref[...])
    x2_ref[...] = x2
    logits = _mmb(x2, wr_ref[...])
    lane = lax.broadcasted_iota(jnp.int32, logits.shape, 1)
    logits = jnp.where(lane < E, logits, NEG)
    big = jnp.int32(10**9)
    m1 = jnp.max(logits, axis=-1, keepdims=True)
    i1 = jnp.min(jnp.where(logits == m1, lane, big), axis=-1, keepdims=True)
    l2 = jnp.where(lane == i1, NEG, logits)
    m2 = jnp.max(l2, axis=-1, keepdims=True)
    i2 = jnp.min(jnp.where(l2 == m2, lane, big), axis=-1, keepdims=True)
    e2 = jnp.exp(m2 - m1)
    w1 = 2.0 / (1.0 + e2)
    w2 = 2.0 * e2 / (1.0 + e2)
    ridx_ref[...] = jnp.where(lane == 0, i1, jnp.where(lane == 1, i2, 0))
    rwt_ref[...] = jnp.where(lane == 0, w1, jnp.where(lane == 1, w2, 0.0))


def _meta_body(ridx_ref, rwt_ref, pos_ref, meta_ref, w0_ref, w1_ref):
    ridx = ridx_ref[...]
    rwt = rwt_ref[...]
    i1 = ridx[:, 0:1]
    i2 = ridx[:, 1:2]
    e_col = jnp.concatenate([i1, i2], axis=0)
    lane = lax.broadcasted_iota(jnp.int32, (A, EP), 1)
    oh = (lane == e_col).astype(jnp.float32)

    r = lax.broadcasted_iota(jnp.int32, (CH, CH), 0)
    c = lax.broadcasted_iota(jnp.int32, (CH, CH), 1)
    L = (r >= c).astype(jnp.float32)
    carry = jnp.zeros((1, EP), jnp.float32)
    parts = []
    for k in range(A // CH):
        ohc = oh[k * CH:(k + 1) * CH]
        inc = jnp.dot(L, ohc, preferred_element_type=jnp.float32) + carry
        parts.append(inc)
        carry = inc[CH - 1:CH, :]
    incl = jnp.concatenate(parts, axis=0)
    cnt = carry
    padded = jnp.floor((cnt + (GB - 1)) / GB) * GB
    r8 = lax.broadcasted_iota(jnp.int32, (EP, EP), 0)
    c8 = lax.broadcasted_iota(jnp.int32, (EP, EP), 1)
    U = (r8 < c8).astype(jnp.float32)
    base = jnp.dot(padded, U, preferred_element_type=jnp.float32)

    sel = lane == e_col
    pos = jnp.sum(jnp.where(sel, incl - 1.0 + base, 0.0), axis=1, keepdims=True)
    pos_ref[...] = jnp.broadcast_to(pos, (A, EP)).astype(jnp.int32)

    ident = (r8 == c8).astype(jnp.float32)
    base_col = lax.dot_general(
        ident, base, (((1,), (1,)), ((), ())), preferred_element_type=jnp.float32
    )
    padded_col = lax.dot_general(
        ident, padded, (((1,), (1,)), ((), ())), preferred_element_type=jnp.float32
    )
    bstart = (c8 * GB).astype(jnp.float32)
    rowe = r8.astype(jnp.float32)
    ind = (base_col <= bstart) & (bstart < base_col + padded_col) & (r8 < E)
    own = jnp.sum(jnp.where(ind, rowe, 0.0), axis=0, keepdims=True)
    act = jnp.sum(ind.astype(jnp.float32), axis=0, keepdims=True)
    tot_b = jnp.sum(padded, axis=1, keepdims=True) / GB
    lanei = lax.broadcasted_iota(jnp.int32, (1, EP), 1).astype(jnp.float32)
    last_own = jnp.sum(
        jnp.where(lanei == tot_b - 1.0, own, 0.0), axis=1, keepdims=True
    )
    clamped = jnp.where(act > 0, own, last_own)
    row8 = lax.broadcasted_iota(jnp.int32, (8, EP), 0)
    meta = jnp.where(row8 == 0, clamped, jnp.where(row8 == 1, act, 0.0))
    meta_ref[...] = meta.astype(jnp.int32)

    w0_ref[...] = jnp.broadcast_to(rwt[:, 0:1], (N, EP))
    w1_ref[...] = jnp.broadcast_to(rwt[:, 1:2], (N, EP))


def _sca_body(x2_hbm, pos0_hbm, pos1_hbm, w0_hbm, w1_hbm,
              xg_hbm, wg_hbm, idx0, idx1, rows, wr0, wr1, sem):
    wid = lax.axis_index("s") * NC + lax.axis_index("c")
    base = wid * TPW
    pltpu.sync_copy(pos0_hbm.at[pl.ds(base, TPW)], idx0)
    pltpu.sync_copy(pos1_hbm.at[pl.ds(base, TPW)], idx1)
    pltpu.sync_copy(x2_hbm.at[pl.ds(base, TPW)], rows)
    pltpu.sync_copy(w0_hbm.at[pl.ds(base, TPW)], wr0)
    pltpu.sync_copy(w1_hbm.at[pl.ds(base, TPW)], wr1)
    pltpu.async_copy(rows, xg_hbm.at[idx0], sem).wait()
    pltpu.async_copy(rows, xg_hbm.at[idx1], sem).wait()
    pltpu.async_copy(wr0, wg_hbm.at[idx0], sem).wait()
    pltpu.async_copy(wr1, wg_hbm.at[idx1], sem).wait()


def _sc_scatter(x2, pos0, pos1, w0rep, w1rep):
    mesh = plsc.VectorSubcoreMesh(
        core_axis_name="c", subcore_axis_name="s", num_cores=NC, num_subcores=NS
    )
    f = functools.partial(
        pl.kernel,
        out_type=[
            jax.ShapeDtypeStruct((P, D), jnp.float32),
            jax.ShapeDtypeStruct((P, EP), jnp.float32),
        ],
        mesh=mesh,
        scratch_types=[
            pltpu.VMEM((TPW,), jnp.int32),
            pltpu.VMEM((TPW,), jnp.int32),
            pltpu.VMEM((TPW, D), jnp.float32),
            pltpu.VMEM((TPW, EP), jnp.float32),
            pltpu.VMEM((TPW, EP), jnp.float32),
            pltpu.SemaphoreType.DMA,
        ],
    )(_sca_body)
    return f(x2, pos0, pos1, w0rep, w1rep)


def _ffn_body(m_ref, xg_ref, wg_ref, w1_ref, b1_ref, w2_ref, b2_ref, yg_ref):
    b = pl.program_id(0)
    c = pl.program_id(1)

    @pl.when(m_ref[b, 1] == 1)
    def _():
        h = _mmb(xg_ref[...], w1_ref[0]) + b1_ref[0, 0]
        h = jax.nn.gelu(h)
        y = _mmb(h, w2_ref[0])
        w_col = wg_ref[:, 0:1]

        @pl.when(c == 0)
        def _():
            yg_ref[...] = (y + b2_ref[0, 0]) * w_col

        @pl.when(c == 1)
        def _():
            yg_ref[...] += y * w_col


def _scb_body(yg_hbm, pos0_hbm, pos1_hbm, g0_hbm, g1_hbm, idx0, idx1, r0, r1, sem):
    wid = lax.axis_index("s") * NC + lax.axis_index("c")
    base = wid * TPW
    pltpu.sync_copy(pos0_hbm.at[pl.ds(base, TPW)], idx0)
    pltpu.sync_copy(pos1_hbm.at[pl.ds(base, TPW)], idx1)
    pltpu.async_copy(yg_hbm.at[idx0], r0, sem).wait()
    pltpu.async_copy(yg_hbm.at[idx1], r1, sem).wait()
    pltpu.sync_copy(r0, g0_hbm.at[pl.ds(base, TPW)])
    pltpu.sync_copy(r1, g1_hbm.at[pl.ds(base, TPW)])


def _sc_gather(yg, pos0, pos1):
    mesh = plsc.VectorSubcoreMesh(
        core_axis_name="c", subcore_axis_name="s", num_cores=NC, num_subcores=NS
    )
    f = functools.partial(
        pl.kernel,
        out_type=[
            jax.ShapeDtypeStruct((N, D), jnp.float32),
            jax.ShapeDtypeStruct((N, D), jnp.float32),
        ],
        mesh=mesh,
        scratch_types=[
            pltpu.VMEM((TPW,), jnp.int32),
            pltpu.VMEM((TPW,), jnp.int32),
            pltpu.VMEM((TPW, D), jnp.float32),
            pltpu.VMEM((TPW, D), jnp.float32),
            pltpu.SemaphoreType.DMA,
        ],
    )(_scb_body)
    return f(yg, pos0, pos1)


def _add_body(a_ref, b_ref, o_ref):
    o_ref[...] = a_ref[...] + b_ref[...]


def kernel(x, g1, bn1, Wqkv, bqkv, Wp, bp, g2, bn2, Wr, W1, b1, W2, b2):
    xf = x.reshape(N, D)
    g1r, bn1r = g1.reshape(1, D), bn1.reshape(1, D)
    g2r, bn2r = g2.reshape(1, D), bn2.reshape(1, D)
    bqkvr = bqkv.reshape(1, 3 * D)
    bpr = bp.reshape(1, D)
    Wr_pad = jnp.pad(Wr, ((0, 0), (0, EP - E)))
    b1r = b1.reshape(E, 2, 1, HID // 2)
    b2r = b2.reshape(E, 1, 1, D)

    qkv = pl.pallas_call(
        _ln_qkv_body,
        grid=(N // RB, 3),
        in_specs=[
            pl.BlockSpec((RB, D), lambda i, c: (i, 0)),
            pl.BlockSpec((1, D), lambda i, c: (0, 0)),
            pl.BlockSpec((1, D), lambda i, c: (0, 0)),
            pl.BlockSpec((D, D), lambda i, c: (0, c)),
            pl.BlockSpec((1, D), lambda i, c: (0, c)),
        ],
        out_specs=pl.BlockSpec((RB, D), lambda i, c: (i, c)),
        out_shape=jax.ShapeDtypeStruct((N, 3 * D), jnp.float32),
    )(xf, g1r, bn1r, Wqkv, bqkvr)

    NP = H // 2
    o3p = pl.pallas_call(
        _attn_body,
        grid=(NP, N // RB),
        in_specs=[
            pl.BlockSpec((RB, 2 * DH), lambda p, i: (i, p)),
            pl.BlockSpec((N, 2 * DH), lambda p, i: (0, NP + p)),
            pl.BlockSpec((N, 2 * DH), lambda p, i: (0, 2 * NP + p)),
        ],
        out_specs=pl.BlockSpec((RB, 2 * DH), lambda p, i: (i, p)),
        out_shape=jax.ShapeDtypeStruct((N, D), jnp.float32),
    )(qkv, qkv, qkv)

    x2, ridx, rwt = pl.pallas_call(
        _post_body,
        grid=(N // RB,),
        in_specs=[
            pl.BlockSpec((RB, D), lambda i: (i, 0)),
            pl.BlockSpec((D, D), lambda i: (0, 0)),
            pl.BlockSpec((1, D), lambda i: (0, 0)),
            pl.BlockSpec((RB, D), lambda i: (i, 0)),
            pl.BlockSpec((1, D), lambda i: (0, 0)),
            pl.BlockSpec((1, D), lambda i: (0, 0)),
            pl.BlockSpec((D, EP), lambda i: (0, 0)),
        ],
        out_specs=[
            pl.BlockSpec((RB, D), lambda i: (i, 0)),
            pl.BlockSpec((RB, EP), lambda i: (i, 0)),
            pl.BlockSpec((RB, EP), lambda i: (i, 0)),
        ],
        out_shape=[
            jax.ShapeDtypeStruct((N, D), jnp.float32),
            jax.ShapeDtypeStruct((N, EP), jnp.int32),
            jax.ShapeDtypeStruct((N, EP), jnp.float32),
        ],
    )(o3p, Wp, bpr, xf, g2r, bn2r, Wr_pad)

    pos, meta8, w0rep, w1rep = pl.pallas_call(
        _meta_body,
        grid=(1,),
        in_specs=[
            pl.BlockSpec((N, EP), lambda i: (0, 0)),
            pl.BlockSpec((N, EP), lambda i: (0, 0)),
        ],
        out_specs=[
            pl.BlockSpec((A, EP), lambda i: (0, 0)),
            pl.BlockSpec((8, EP), lambda i: (0, 0)),
            pl.BlockSpec((N, EP), lambda i: (0, 0)),
            pl.BlockSpec((N, EP), lambda i: (0, 0)),
        ],
        out_shape=[
            jax.ShapeDtypeStruct((A, EP), jnp.int32),
            jax.ShapeDtypeStruct((8, EP), jnp.int32),
            jax.ShapeDtypeStruct((N, EP), jnp.float32),
            jax.ShapeDtypeStruct((N, EP), jnp.float32),
        ],
    )(ridx, rwt)

    pos0 = pos[:N, 0]
    pos1 = pos[N:, 0]
    bmeta = meta8[:2, :NBLK].transpose(1, 0)

    xg, wg = _sc_scatter(x2, pos0, pos1, w0rep, w1rep)

    grid_spec = pltpu.PrefetchScalarGridSpec(
        num_scalar_prefetch=1,
        grid=(NBLK, 2),
        in_specs=[
            pl.BlockSpec((GB, D), lambda b, c, m: (b, 0)),
            pl.BlockSpec((GB, EP), lambda b, c, m: (b, 0)),
            pl.BlockSpec((1, D, HID // 2), lambda b, c, m: (m[b, 0], 0, c)),
            pl.BlockSpec((1, 1, 1, HID // 2), lambda b, c, m: (m[b, 0], c, 0, 0)),
            pl.BlockSpec((1, HID // 2, D), lambda b, c, m: (m[b, 0], c, 0)),
            pl.BlockSpec((1, 1, 1, D), lambda b, c, m: (m[b, 0], 0, 0, 0)),
        ],
        out_specs=pl.BlockSpec((GB, D), lambda b, c, m: (b, 0)),
    )
    yg = pl.pallas_call(
        _ffn_body,
        grid_spec=grid_spec,
        out_shape=jax.ShapeDtypeStruct((P, D), jnp.float32),
    )(bmeta, xg, wg, W1, b1r, W2, b2r)

    g0, g1 = _sc_gather(yg, pos0, pos1)

    out = pl.pallas_call(
        _add_body,
        grid=(N // RB,),
        in_specs=[
            pl.BlockSpec((RB, D), lambda i: (i, 0)),
            pl.BlockSpec((RB, D), lambda i: (i, 0)),
        ],
        out_specs=pl.BlockSpec((RB, D), lambda i: (i, 0)),
        out_shape=jax.ShapeDtypeStruct((N, D), jnp.float32),
    )(g0, g1)

    return out.reshape(1, N, D)

# --- scband reference (transcript-rebuilt; emitter-appended) ---
"""Pipeline reference for scband-block-mo-e-82961588290175 (READ-ONLY COPY).

The authoritative reference and input builder live on the scoring server;
editing this copy changes nothing except your own understanding.
"""

import jax, jax.numpy as jnp
import numpy as np

B, N, DIM, HEADS = 1, 2048, 768, 12
E, TOPK, HID = 8, 2, 3072


def _ln(x, g, b):
    m = jnp.mean(x, axis=-1, keepdims=True)
    v = jnp.mean((x - m) ** 2, axis=-1, keepdims=True)
    return (x - m) / jnp.sqrt(v + 1e-5) * g + b


def _attn(x, Wqkv, bqkv, Wp, bp):
    Bx, Nx, D = x.shape
    dh = D // HEADS
    qkv = x @ Wqkv + bqkv
    qkv = qkv.reshape(Bx, Nx, 3, HEADS, dh).transpose(2, 0, 3, 1, 4)
    q, k, v = qkv[0], qkv[1], qkv[2]
    a = (q * (dh ** -0.5)) @ k.transpose(0, 1, 3, 2)
    a = jax.nn.softmax(a, axis=-1)
    o = (a @ v).transpose(0, 2, 1, 3).reshape(Bx, Nx, D)
    return o @ Wp + bp


def _moe(x, Wr, W1, b1, W2, b2):
    Bx, Nx, D = x.shape
    flat = x.reshape(-1, D)
    logits = flat @ Wr
    gates = jax.nn.softmax(logits, axis=-1)
    topv, topi = jax.lax.top_k(gates, TOPK)
    topv = topv / jnp.sum(topv, axis=-1, keepdims=True)
    combine = jnp.sum(jax.nn.one_hot(topi, E, dtype=flat.dtype) * topv[..., None], axis=1)
    h = jax.nn.gelu(jnp.einsum('td,edf->etf', flat, W1) + b1[:, None, :])
    y = jnp.einsum('etf,efd->etd', h, W2) + b2[:, None, :]
    out = jnp.einsum('te,etd->td', combine, y).reshape(Bx, Nx, D)
    importance = jnp.mean(gates, axis=0)
    load = jnp.mean(combine > 0, axis=0).astype(flat.dtype)
    balance_loss = E * jnp.sum(importance * load)
    z = jax.nn.logsumexp(logits, axis=-1)
    router_z_loss = jnp.mean(z ** 2)
    total = 0.01 * balance_loss + 0.001 * router_z_loss
    return out, total, balance_loss, router_z_loss


def setup_inputs(seed: int = 0):
    key = jax.random.key(seed)
    ks = jax.random.split(key, 8)
    s = 0.02
    return {
        'x': jax.random.normal(ks[0], (B, N, DIM), dtype=jnp.float32),
        'g1': jnp.ones((DIM,), jnp.float32),
        'bn1': jnp.zeros((DIM,), jnp.float32),
        'Wqkv': jax.random.normal(ks[1], (DIM, 3 * DIM), dtype=jnp.float32) * s,
        'bqkv': jnp.zeros((3 * DIM,), jnp.float32),
        'Wp': jax.random.normal(ks[2], (DIM, DIM), dtype=jnp.float32) * s,
        'bp': jnp.zeros((DIM,), jnp.float32),
        'g2': jnp.ones((DIM,), jnp.float32),
        'bn2': jnp.zeros((DIM,), jnp.float32),
        'Wr': jax.random.normal(ks[3], (DIM, E), dtype=jnp.float32) * s,
        'W1': jax.random.normal(ks[4], (E, DIM, HID), dtype=jnp.float32) * s,
        'b1': jnp.zeros((E, HID), jnp.float32),
        'W2': jax.random.normal(ks[5], (E, HID, DIM), dtype=jnp.float32) * s,
        'b2': jnp.zeros((E, DIM), jnp.float32),
    }


def reference(x, g1, bn1, Wqkv, bqkv, Wp, bp, g2, bn2, Wr, W1, b1, W2, b2):
    x = x + _attn(_ln(x, g1, bn1), Wqkv, bqkv, Wp, bp)
    x = _ln(x, g2, bn2)
    x, total_aux, bal, zl = _moe(x, Wr, W1, b1, W2, b2)
    x = x + x
    return x

if __name__ == "__main__":
    import jax
    _d = setup_inputs()
    print(jax.jit(kernel)(*tuple(_d.values())))

</pallas_src>

<mosaic_0001>
#map = affine_map<(d0, d1) -> (0, 0)>
#map1 = affine_map<(d0, d1) -> (0)>
module attributes {stable_mosaic.version = 14 : i64} {
  func.func @_scb_body(%arg0: i32, %arg1: i32, %arg2: memref<5888x768xf32, #tpu.memory_space<hbm>>, %arg3: memref<2048xi32, #tpu.memory_space<hbm>>, %arg4: memref<2048xi32, #tpu.memory_space<hbm>>, %arg5: memref<2048x768xf32, #tpu.memory_space<hbm>>, %arg6: memref<2048x768xf32, #tpu.memory_space<hbm>>, %arg7: memref<64xi32, #tpu.memory_space<vmem>>, %arg8: memref<64xi32, #tpu.memory_space<vmem>>, %arg9: memref<64x768xf32, #tpu.memory_space<vmem>>, %arg10: memref<64x768xf32, #tpu.memory_space<vmem>>, %arg11: memref<!tpu.dma_semaphore, #tpu.memory_space<semaphore_mem>>) attributes {dimension_semantics = [#tpu.dimension_semantics<core_parallel>, #tpu.dimension_semantics<subcore_parallel>], iteration_bounds = array<i64: 2, 16>, scalar_prefetch = 0 : i64, scratch_operands = 5 : i64, tpu.core_type = #tpu.core_type<sc_vector_subcore>, window_params = [{transform_indices = #map}, {transform_indices = #map1}, {transform_indices = #map1}, {transform_indices = #map}, {transform_indices = #map}]} {
    %mul3A = arith.constant 2 : i32
    %mul3A_0 = arith.muli %arg1, %mul3A : i32
    %add3A = arith.addi %mul3A_0, %arg0 : i32
    %mul3A_1 = arith.constant 64 : i32
    %mul3A_2 = arith.muli %add3A, %mul3A_1 : i32
    "tpu.region"() ({
      %run_scoped3A = tpu.sem_alloc : memref<!tpu.dma_semaphore, #tpu.memory_space<semaphore_mem>>
      %dma_start3A_13 = tpu.memref_slice %arg3[%mul3A_2] : memref<2048xi32, #tpu.memory_space<hbm>> -> memref<64xi32, #tpu.memory_space<hbm>>
      %dma_start3A_14 = tpu.memref_slice %arg3[%mul3A_2] : memref<2048xi32, #tpu.memory_space<hbm>> -> memref<64xi32, #tpu.memory_space<hbm>>
      tpu.enqueue_dma source(%dma_start3A_14 : memref<64xi32, #tpu.memory_space<hbm>>) target(%arg7 : memref<64xi32, #tpu.memory_space<vmem>>) target_semaphore(%run_scoped3A : memref<!tpu.dma_semaphore, #tpu.memory_space<semaphore_mem>>)
      %dma_wait3A_15 = tpu.memref_slice %arg3[%mul3A_2] : memref<2048xi32, #tpu.memory_space<hbm>> -> memref<64xi32, #tpu.memory_space<hbm>>
      %dma_wait3A_16 = tpu.memref_slice %arg3[%mul3A_2] : memref<2048xi32, #tpu.memory_space<hbm>> -> memref<64xi32, #tpu.memory_space<hbm>>
      tpu.wait_dma2 semaphore(%run_scoped3A : memref<!tpu.dma_semaphore, #tpu.memory_space<semaphore_mem>>) src(%dma_wait3A_16 : memref<64xi32, #tpu.memory_space<hbm>>) dst(%arg7 : memref<64xi32, #tpu.memory_space<vmem>>)
      tpu.yield
    }) : () -> ()
    "tpu.region"() ({
      %run_scoped3A = tpu.sem_alloc : memref<!tpu.dma_semaphore, #tpu.memory_space<semaphore_mem>>
      %dma_start3A_13 = tpu.memref_slice %arg4[%mul3A_2] : memref<2048xi32, #tpu.memory_space<hbm>> -> memref<64xi32, #tpu.memory_space<hbm>>
      %dma_start3A_14 = tpu.memref_slice %arg4[%mul3A_2] : memref<2048xi32, #tpu.memory_space<hbm>> -> memref<64xi32, #tpu.memory_space<hbm>>
      tpu.enqueue_dma source(%dma_start3A_14 : memref<64xi32, #tpu.memory_space<hbm>>) target(%arg8 : memref<64xi32, #tpu.memory_space<vmem>>) target_semaphore(%run_scoped3A : memref<!tpu.dma_semaphore, #tpu.memory_space<semaphore_mem>>)
      %dma_wait3A_15 = tpu.memref_slice %arg4[%mul3A_2] : memref<2048xi32, #tpu.memory_space<hbm>> -> memref<64xi32, #tpu.memory_space<hbm>>
      %dma_wait3A_16 = tpu.memref_slice %arg4[%mul3A_2] : memref<2048xi32, #tpu.memory_space<hbm>> -> memref<64xi32, #tpu.memory_space<hbm>>
      tpu.wait_dma2 semaphore(%run_scoped3A : memref<!tpu.dma_semaphore, #tpu.memory_space<semaphore_mem>>) src(%dma_wait3A_16 : memref<64xi32, #tpu.memory_space<hbm>>) dst(%arg8 : memref<64xi32, #tpu.memory_space<vmem>>)
      tpu.yield
    }) : () -> ()
    %dma_start3A = arith.constant 0 : i32
    %dma_start3A_3 = arith.constant 0 : i32
    %dma_start3A_4 = tpu.memref_slice %arg2[%dma_start3A, %dma_start3A_3] : memref<5888x768xf32, #tpu.memory_space<hbm>> -> memref<5888x768xf32, #tpu.memory_space<hbm>>
    tpu.enqueue_indirect_dma source(%dma_start3A_4 : memref<5888x768xf32, #tpu.memory_space<hbm>>) target(%arg9 : memref<64x768xf32, #tpu.memory_space<vmem>>) offsets(%arg7 : memref<64xi32, #tpu.memory_space<vmem>>) semaphore(%arg11 : memref<!tpu.dma_semaphore, #tpu.memory_space<semaphore_mem>>)
    %dma_wait3A = arith.constant 0 : i32
    %dma_wait3A_5 = arith.constant 0 : i32
    %dma_wait3A_6 = tpu.memref_slice %arg2[%dma_wait3A, %dma_wait3A_5] : memref<5888x768xf32, #tpu.memory_space<hbm>> -> memref<5888x768xf32, #tpu.memory_space<hbm>>
    tpu.wait_indirect_dma semaphore(%arg11 : memref<!tpu.dma_semaphore, #tpu.memory_space<semaphore_mem>>) src(%dma_wait3A_6 : memref<5888x768xf32, #tpu.memory_space<hbm>>) dst(%arg9 : memref<64x768xf32, #tpu.memory_space<vmem>>)
    %dma_start3A_7 = arith.constant 0 : i32
    %dma_start3A_8 = arith.constant 0 : i32
    %dma_start3A_9 = tpu.memref_slice %arg2[%dma_start3A_7, %dma_start3A_8] : memref<5888x768xf32, #tpu.memory_space<hbm>> -> memref<5888x768xf32, #tpu.memory_space<hbm>>
    tpu.enqueue_indirect_dma source(%dma_start3A_9 : memref<5888x768xf32, #tpu.memory_space<hbm>>) target(%arg10 : memref<64x768xf32, #tpu.memory_space<vmem>>) offsets(%arg8 : memref<64xi32, #tpu.memory_space<vmem>>) semaphore(%arg11 : memref<!tpu.dma_semaphore, #tpu.memory_space<semaphore_mem>>)
    %dma_wait3A_10 = arith.constant 0 : i32
    %dma_wait3A_11 = arith.constant 0 : i32
    %dma_wait3A_12 = tpu.memref_slice %arg2[%dma_wait3A_10, %dma_wait3A_11] : memref<5888x768xf32, #tpu.memory_space<hbm>> -> memref<5888x768xf32, #tpu.memory_space<hbm>>
    tpu.wait_indirect_dma semaphore(%arg11 : memref<!tpu.dma_semaphore, #tpu.memory_space<semaphore_mem>>) src(%dma_wait3A_12 : memref<5888x768xf32, #tpu.memory_space<hbm>>) dst(%arg10 : memref<64x768xf32, #tpu.memory_space<vmem>>)
    "tpu.region"() ({
      %run_scoped3A = tpu.sem_alloc : memref<!tpu.dma_semaphore, #tpu.memory_space<semaphore_mem>>
      %dma_start3A_13 = arith.constant 0 : i32
      %dma_start3A_14 = tpu.memref_slice %arg5[%mul3A_2, %dma_start3A_13] : memref<2048x768xf32, #tpu.memory_space<hbm>> -> memref<64x768xf32, #tpu.memory_space<hbm>>
      %dma_start3A_15 = arith.constant 0 : i32
      %dma_start3A_16 = tpu.memref_slice %arg5[%mul3A_2, %dma_start3A_15] : memref<2048x768xf32, #tpu.memory_space<hbm>> -> memref<64x768xf32, #tpu.memory_space<hbm>>
      tpu.enqueue_dma source(%arg9 : memref<64x768xf32, #tpu.memory_space<vmem>>) target(%dma_start3A_16 : memref<64x768xf32, #tpu.memory_space<hbm>>) target_semaphore(%run_scoped3A : memref<!tpu.dma_semaphore, #tpu.memory_space<semaphore_mem>>)
      %dma_wait3A_17 = arith.constant 0 : i32
      %dma_wait3A_18 = tpu.memref_slice %arg5[%mul3A_2, %dma_wait3A_17] : memref<2048x768xf32, #tpu.memory_space<hbm>> -> memref<64x768xf32, #tpu.memory_space<hbm>>
      %dma_wait3A_19 = arith.constant 0 : i32
      %dma_wait3A_20 = tpu.memref_slice %arg5[%mul3A_2, %dma_wait3A_19] : memref<2048x768xf32, #tpu.memory_space<hbm>> -> memref<64x768xf32, #tpu.memory_space<hbm>>
      tpu.wait_dma2 semaphore(%run_scoped3A : memref<!tpu.dma_semaphore, #tpu.memory_space<semaphore_mem>>) src(%arg9 : memref<64x768xf32, #tpu.memory_space<vmem>>) dst(%dma_wait3A_20 : memref<64x768xf32, #tpu.memory_space<hbm>>)
      tpu.yield
    }) : () -> ()
    "tpu.region"() ({
      %run_scoped3A = tpu.sem_alloc : memref<!tpu.dma_semaphore, #tpu.memory_space<semaphore_mem>>
      %dma_start3A_13 = arith.constant 0 : i32
      %dma_start3A_14 = tpu.memref_slice %arg6[%mul3A_2, %dma_start3A_13] : memref<2048x768xf32, #tpu.memory_space<hbm>> -> memref<64x768xf32, #tpu.memory_space<hbm>>
      %dma_start3A_15 = arith.constant 0 : i32
      %dma_start3A_16 = tpu.memref_slice %arg6[%mul3A_2, %dma_start3A_15] : memref<2048x768xf32, #tpu.memory_space<hbm>> -> memref<64x768xf32, #tpu.memory_space<hbm>>
      tpu.enqueue_dma source(%arg10 : memref<64x768xf32, #tpu.memory_space<vmem>>) target(%dma_start3A_16 : memref<64x768xf32, #tpu.memory_space<hbm>>) target_semaphore(%run_scoped3A : memref<!tpu.dma_semaphore, #tpu.memory_space<semaphore_mem>>)
      %dma_wait3A_17 = arith.constant 0 : i32
      %dma_wait3A_18 = tpu.memref_slice %arg6[%mul3A_2, %dma_wait3A_17] : memref<2048x768xf32, #tpu.memory_space<hbm>> -> memref<64x768xf32, #tpu.memory_space<hbm>>
      %dma_wait3A_19 = arith.constant 0 : i32
      %dma_wait3A_20 = tpu.memref_slice %arg6[%mul3A_2, %dma_wait3A_19] : memref<2048x768xf32, #tpu.memory_space<hbm>> -> memref<64x768xf32, #tpu.memory_space<hbm>>
      tpu.wait_dma2 semaphore(%run_scoped3A : memref<!tpu.dma_semaphore, #tpu.memory_space<semaphore_mem>>) src(%arg10 : memref<64x768xf32, #tpu.memory_space<vmem>>) dst(%dma_wait3A_20 : memref<64x768xf32, #tpu.memory_space<hbm>>)
      tpu.yield
    }) : () -> ()
    return
  }
}

#map = affine_map<(d0, d1) -> (0, 0)>
#map1 = affine_map<(d0, d1) -> (0)>
module attributes {stable_mosaic.version = 14 : i64} {
  func.func @_sca_body(%arg0: i32, %arg1: i32, %arg2: memref<2048x768xf32, #tpu.memory_space<hbm>>, %arg3: memref<2048xi32, #tpu.memory_space<hbm>>, %arg4: memref<2048xi32, #tpu.memory_space<hbm>>, %arg5: memref<2048x128xf32, #tpu.memory_space<hbm>>, %arg6: memref<2048x128xf32, #tpu.memory_space<hbm>>, %arg7: memref<5888x768xf32, #tpu.memory_space<hbm>>, %arg8: memref<5888x128xf32, #tpu.memory_space<hbm>>, %arg9: memref<64xi32, #tpu.memory_space<vmem>>, %arg10: memref<64xi32, #tpu.memory_space<vmem>>, %arg11: memref<64x768xf32, #tpu.memory_space<vmem>>, %arg12: memref<64x128xf32, #tpu.memory_space<vmem>>, %arg13: memref<64x128xf32, #tpu.memory_space<vmem>>, %arg14: memref<!tpu.dma_semaphore, #tpu.memory_space<semaphore_mem>>) attributes {dimension_semantics = [#tpu.dimension_semantics<core_parallel>, #tpu.dimension_semantics<subcore_parallel>], iteration_bounds = array<i64: 2, 16>, scalar_prefetch = 0 : i64, scratch_operands = 6 : i64, tpu.core_type = #tpu.core_type<sc_vector_subcore>, window_params = [{transform_indices = #map}, {transform_indices = #map1}, {transform_indices = #map1}, {transform_indices = #map}, {transform_indices = #map}, {transform_indices = #map}, {transform_indices = #map}]} {
    %mul3A = arith.constant 2 : i32
    %mul3A_0 = arith.muli %arg1, %mul3A : i32
    %add3A = arith.addi %mul3A_0, %arg0 : i32
    %mul3A_1 = arith.constant 64 : i32
    %mul3A_2 = arith.muli %add3A, %mul3A_1 : i32
    "tpu.region"() ({
      %run_scoped3A = tpu.sem_alloc : memref<!tpu.dma_semaphore, #tpu.memory_space<semaphore_mem>>
      %dma_start3A_25 = tpu.memref_slice %arg3[%mul3A_2] : memref<2048xi32, #tpu.memory_space<hbm>> -> memref<64xi32, #tpu.memory_space<hbm>>
      %dma_start3A_26 = tpu.memref_slice %arg3[%mul3A_2] : memref<2048xi32, #tpu.memory_space<hbm>> -> memref<64xi32, #tpu.memory_space<hbm>>
      tpu.enqueue_dma source(%dma_start3A_26 : memref<64xi32, #tpu.memory_space<hbm>>) target(%arg9 : memref<64xi32, #tpu.memory_space<vmem>>) target_semaphore(%run_scoped3A : memref<!tpu.dma_semaphore, #tpu.memory_space<semaphore_mem>>)
      %dma_wait3A_27 = tpu.memref_slice %arg3[%mul3A_2] : memref<2048xi32, #tpu.memory_space<hbm>> -> memref<64xi32, #tpu.memory_space<hbm>>
      %dma_wait3A_28 = tpu.memref_slice %arg3[%mul3A_2] : memref<2048xi32, #tpu.memory_space<hbm>> -> memref<64xi32, #tpu.memory_space<hbm>>
      tpu.wait_dma2 semaphore(%run_scoped3A : memref<!tpu.dma_semaphore, #tpu.memory_space<semaphore_mem>>) src(%dma_wait3A_28 : memref<64xi32, #tpu.memory_space<hbm>>) dst(%arg9 : memref<64xi32, #tpu.memory_space<vmem>>)
      tpu.yield
    }) : () -> ()
    "tpu.region"() ({
      %run_scoped3A = tpu.sem_alloc : memref<!tpu.dma_semaphore, #tpu.memory_space<semaphore_mem>>
      %dma_start3A_25 = tpu.memref_slice %arg4[%mul3A_2] : memref<2048xi32, #tpu.memory_space<hbm>> -> memref<64xi32, #tpu.memory_space<hbm>>
      %dma_start3A_26 = tpu.memref_slice %arg4[%mul3A_2] : memref<2048xi32, #tpu.memory_space<hbm>> -> memref<64xi32, #tpu.memory_space<hbm>>
      tpu.enqueue_dma source(%dma_start3A_26 : memref<64xi32, #tpu.memory_space<hbm>>) target(%arg10 : memref<64xi32, #tpu.memory_space<vmem>>) target_semaphore(%run_scoped3A : memref<!tpu.dma_semaphore, #tpu.memory_space<semaphore_mem>>)
      %dma_wait3A_27 = tpu.memref_slice %arg4[%mul3A_2] : memref<2048xi32, #tpu.memory_space<hbm>> -> memref<64xi32, #tpu.memory_space<hbm>>
      %dma_wait3A_28 = tpu.memref_slice %arg4[%mul3A_2] : memref<2048xi32, #tpu.memory_space<hbm>> -> memref<64xi32, #tpu.memory_space<hbm>>
      tpu.wait_dma2 semaphore(%run_scoped3A : memref<!tpu.dma_semaphore, #tpu.memory_space<semaphore_mem>>) src(%dma_wait3A_28 : memref<64xi32, #tpu.memory_space<hbm>>) dst(%arg10 : memref<64xi32, #tpu.memory_space<vmem>>)
      tpu.yield
    }) : () -> ()
    "tpu.region"() ({
      %run_scoped3A = tpu.sem_alloc : memref<!tpu.dma_semaphore, #tpu.memory_space<semaphore_mem>>
      %dma_start3A_25 = arith.constant 0 : i32
      %dma_start3A_26 = tpu.memref_slice %arg2[%mul3A_2, %dma_start3A_25] : memref<2048x768xf32, #tpu.memory_space<hbm>> -> memref<64x768xf32, #tpu.memory_space<hbm>>
      %dma_start3A_27 = arith.constant 0 : i32
      %dma_start3A_28 = tpu.memref_slice %arg2[%mul3A_2, %dma_start3A_27] : memref<2048x768xf32, #tpu.memory_space<hbm>> -> memref<64x768xf32, #tpu.memory_space<hbm>>
      tpu.enqueue_dma source(%dma_start3A_28 : memref<64x768xf32, #tpu.memory_space<hbm>>) target(%arg11 : memref<64x768xf32, #tpu.memory_space<vmem>>) target_semaphore(%run_scoped3A : memref<!tpu.dma_semaphore, #tpu.memory_space<semaphore_mem>>)
      %dma_wait3A_29 = arith.constant 0 : i32
      %dma_wait3A_30 = tpu.memref_slice %arg2[%mul3A_2, %dma_wait3A_29] : memref<2048x768xf32, #tpu.memory_space<hbm>> -> memref<64x768xf32, #tpu.memory_space<hbm>>
      %dma_wait3A_31 = arith.constant 0 : i32
      %dma_wait3A_32 = tpu.memref_slice %arg2[%mul3A_2, %dma_wait3A_31] : memref<2048x768xf32, #tpu.memory_space<hbm>> -> memref<64x768xf32, #tpu.memory_space<hbm>>
      tpu.wait_dma2 semaphore(%run_scoped3A : memref<!tpu.dma_semaphore, #tpu.memory_space<semaphore_mem>>) src(%dma_wait3A_32 : memref<64x768xf32, #tpu.memory_space<hbm>>) dst(%arg11 : memref<64x768xf32, #tpu.memory_space<vmem>>)
      tpu.yield
    }) : () -> ()
    "tpu.region"() ({
      %run_scoped3A = tpu.sem_alloc : memref<!tpu.dma_semaphore, #tpu.memory_space<semaphore_mem>>
      %dma_start3A_25 = arith.constant 0 : i32
      %dma_start3A_26 = tpu.memref_slice %arg5[%mul3A_2, %dma_start3A_25] : memref<2048x128xf32, #tpu.memory_space<hbm>> -> memref<64x128xf32, #tpu.memory_space<hbm>>
      %dma_start3A_27 = arith.constant 0 : i32
      %dma_start3A_28 = tpu.memref_slice %arg5[%mul3A_2, %dma_start3A_27] : memref<2048x128xf32, #tpu.memory_space<hbm>> -> memref<64x128xf32, #tpu.memory_space<hbm>>
      tpu.enqueue_dma source(%dma_start3A_28 : memref<64x128xf32, #tpu.memory_space<hbm>>) target(%arg12 : memref<64x128xf32, #tpu.memory_space<vmem>>) target_semaphore(%run_scoped3A : memref<!tpu.dma_semaphore, #tpu.memory_space<semaphore_mem>>)
      %dma_wait3A_29 = arith.constant 0 : i32
      %dma_wait3A_30 = tpu.memref_slice %arg5[%mul3A_2, %dma_wait3A_29] : memref<2048x128xf32, #tpu.memory_space<hbm>> -> memref<64x128xf32, #tpu.memory_space<hbm>>
      %dma_wait3A_31 = arith.constant 0 : i32
      %dma_wait3A_32 = tpu.memref_slice %arg5[%mul3A_2, %dma_wait3A_31] : memref<2048x128xf32, #tpu.memory_space<hbm>> -> memref<64x128xf32, #tpu.memory_space<hbm>>
      tpu.wait_dma2 semaphore(%run_scoped3A : memref<!tpu.dma_semaphore, #tpu.memory_space<semaphore_mem>>) src(%dma_wait3A_32 : memref<64x128xf32, #tpu.memory_space<hbm>>) dst(%arg12 : memref<64x128xf32, #tpu.memory_space<vmem>>)
      tpu.yield
    }) : () -> ()
    "tpu.region"() ({
      %run_scoped3A = tpu.sem_alloc : memref<!tpu.dma_semaphore, #tpu.memory_space<semaphore_mem>>
      %dma_start3A_25 = arith.constant 0 : i32
      %dma_start3A_26 = tpu.memref_slice %arg6[%mul3A_2, %dma_start3A_25] : memref<2048x128xf32, #tpu.memory_space<hbm>> -> memref<64x128xf32, #tpu.memory_space<hbm>>
      %dma_start3A_27 = arith.constant 0 : i32
      %dma_start3A_28 = tpu.memref_slice %arg6[%mul3A_2, %dma_start3A_27] : memref<2048x128xf32, #tpu.memory_space<hbm>> -> memref<64x128xf32, #tpu.memory_space<hbm>>
      tpu.enqueue_dma source(%dma_start3A_28 : memref<64x128xf32, #tpu.memory_space<hbm>>) target(%arg13 : memref<64x128xf32, #tpu.memory_space<vmem>>) target_semaphore(%run_scoped3A : memref<!tpu.dma_semaphore, #tpu.memory_space<semaphore_mem>>)
      %dma_wait3A_29 = arith.constant 0 : i32
      %dma_wait3A_30 = tpu.memref_slice %arg6[%mul3A_2, %dma_wait3A_29] : memref<2048x128xf32, #tpu.memory_space<hbm>> -> memref<64x128xf32, #tpu.memory_space<hbm>>
      %dma_wait3A_31 = arith.constant 0 : i32
      %dma_wait3A_32 = tpu.memref_slice %arg6[%mul3A_2, %dma_wait3A_31] : memref<2048x128xf32, #tpu.memory_space<hbm>> -> memref<64x128xf32, #tpu.memory_space<hbm>>
      tpu.wait_dma2 semaphore(%run_scoped3A : memref<!tpu.dma_semaphore, #tpu.memory_space<semaphore_mem>>) src(%dma_wait3A_32 : memref<64x128xf32, #tpu.memory_space<hbm>>) dst(%arg13 : memref<64x128xf32, #tpu.memory_space<vmem>>)
      tpu.yield
    }) : () -> ()
    %dma_start3A = arith.constant 0 : i32
    %dma_start3A_3 = arith.constant 0 : i32
    %dma_start3A_4 = tpu.memref_slice %arg7[%dma_start3A, %dma_start3A_3] : memref<5888x768xf32, #tpu.memory_space<hbm>> -> memref<5888x768xf32, #tpu.memory_space<hbm>>
    tpu.enqueue_indirect_dma source(%arg11 : memref<64x768xf32, #tpu.memory_space<vmem>>) target(%dma_start3A_4 : memref<5888x768xf32, #tpu.memory_space<hbm>>) offsets(%arg9 : memref<64xi32, #tpu.memory_space<vmem>>) semaphore(%arg14 : memref<!tpu.dma_semaphore, #tpu.memory_space<semaphore_mem>>)
    %dma_wait3A = arith.constant 0 : i32
    %dma_wait3A_5 = arith.constant 0 : i32
    %dma_wait3A_6 = tpu.memref_slice %arg7[%dma_wait3A, %dma_wait3A_5] : memref<5888x768xf32, #tpu.memory_space<hbm>> -> memref<5888x768xf32, #tpu.memory_space<hbm>>
    tpu.wait_indirect_dma semaphore(%arg14 : memref<!tpu.dma_semaphore, #tpu.memory_space<semaphore_mem>>) src(%arg11 : memref<64x768xf32, #tpu.memory_space<vmem>>) dst(%dma_wait3A_6 : memref<5888x768xf32, #tpu.memory_space<hbm>>)
    %dma_start3A_7 = arith.constant 0 : i32
    %dma_start3A_8 = arith.constant 0 : i32
    %dma_start3A_9 = tpu.memref_slice %arg7[%dma_start3A_7, %dma_start3A_8] : memref<5888x768xf32, #tpu.memory_space<hbm>> -> memref<5888x768xf32, #tpu.memory_space<hbm>>
    tpu.enqueue_indirect_dma source(%arg11 : memref<64x768xf32, #tpu.memory_space<vmem>>) target(%dma_start3A_9 : memref<5888x768xf32, #tpu.memory_space<hbm>>) offsets(%arg10 : memref<64xi32, #tpu.memory_space<vmem>>) semaphore(%arg14 : memref<!tpu.dma_semaphore, #tpu.memory_space<semaphore_mem>>)
    %dma_wait3A_10 = arith.constant 0 : i32
    %dma_wait3A_11 = arith.constant 0 : i32
    %dma_wait3A_12 = tpu.memref_slice %arg7[%dma_wait3A_10, %dma_wait3A_11] : memref<5888x768xf32, #tpu.memory_space<hbm>> -> memref<5888x768xf32, #tpu.memory_space<hbm>>
    tpu.wait_indirect_dma semaphore(%arg14 : memref<!tpu.dma_semaphore, #tpu.memory_space<semaphore_mem>>) src(%arg11 : memref<64x768xf32, #tpu.memory_space<vmem>>) dst(%dma_wait3A_12 : memref<5888x768xf32, #tpu.memory_space<hbm>>)
    %dma_start3A_13 = arith.constant 0 : i32
    %dma_start3A_14 = arith.constant 0 : i32
    %dma_start3A_15 = tpu.memref_slice %arg8[%dma_start3A_13, %dma_start3A_14] : memref<5888x128xf32, #tpu.memory_space<hbm>> -> memref<5888x128xf32, #tpu.memory_space<hbm>>
    tpu.enqueue_indirect_dma source(%arg12 : memref<64x128xf32, #tpu.memory_space<vmem>>) target(%dma_start3A_15 : memref<5888x128xf32, #tpu.memory_space<hbm>>) offsets(%arg9 : memref<64xi32, #tpu.memory_space<vmem>>) semaphore(%arg14 : memref<!tpu.dma_semaphore, #tpu.memory_space<semaphore_mem>>)
    %dma_wait3A_16 = arith.constant 0 : i32
    %dma_wait3A_17 = arith.constant 0 : i32
    %dma_wait3A_18 = tpu.memref_slice %arg8[%dma_wait3A_16, %dma_wait3A_17] : memref<5888x128xf32, #tpu.memory_space<hbm>> -> memref<5888x128xf32, #tpu.memory_space<hbm>>
    tpu.wait_indirect_dma semaphore(%arg14 : memref<!tpu.dma_semaphore, #tpu.memory_space<semaphore_mem>>) src(%arg12 : memref<64x128xf32, #tpu.memory_space<vmem>>) dst(%dma_wait3A_18 : memref<5888x128xf32, #tpu.memory_space<hbm>>)
    %dma_start3A_19 = arith.constant 0 : i32
    %dma_start3A_20 = arith.constant 0 : i32
    %dma_start3A_21 = tpu.memref_slice %arg8[%dma_start3A_19, %dma_start3A_20] : memref<5888x128xf32, #tpu.memory_space<hbm>> -> memref<5888x128xf32, #tpu.memory_space<hbm>>
    tpu.enqueue_indirect_dma source(%arg13 : memref<64x128xf32, #tpu.memory_space<vmem>>) target(%dma_start3A_21 : memref<5888x128xf32, #tpu.memory_space<hbm>>) offsets(%arg10 : memref<64xi32, #tpu.memory_space<vmem>>) semaphore(%arg14 : memref<!tpu.dma_semaphore, #tpu.memory_space<semaphore_mem>>)
    %dma_wait3A_22 = arith.constant 0 : i32
    %dma_wait3A_23 = arith.constant 0 : i32
    %dma_wait3A_24 = tpu.memref_slice %arg8[%dma_wait3A_22, %dma_wait3A_23] : memref<5888x128xf32, #tpu.memory_space<hbm>> -> memref<5888x128xf32, #tpu.memory_space<hbm>>
    tpu.wait_indirect_dma semaphore(%arg14 : memref<!tpu.dma_semaphore, #tpu.memory_space<semaphore_mem>>) src(%arg13 : memref<64x128xf32, #tpu.memory_space<vmem>>) dst(%dma_wait3A_24 : memref<5888x128xf32, #tpu.memory_space<hbm>>)
    return
  }
}

module attributes {stable_mosaic.version = 14 : i64} {
  func.func @_attn_body(%arg0: i32, %arg1: i32, %arg2: memref<512x128xf32, #tpu.memory_space<vmem>>, %arg3: memref<2048x128xf32, #tpu.memory_space<vmem>>, %arg4: memref<2048x128xf32, #tpu.memory_space<vmem>>, %arg5: memref<512x128xf32, #tpu.memory_space<vmem>>) attributes {dimension_semantics = [#tpu.dimension_semantics<arbitrary>, #tpu.dimension_semantics<arbitrary>], iteration_bounds = array<i64: 6, 4>, scalar_prefetch = 0 : i64, scratch_operands = 0 : i64, tpu.core_type = #tpu.core_type<tc>, window_params = [{transform_indices = @transform_0, window_bounds = array<i64: 512, 128>}, {transform_indices = @transform_1, window_bounds = array<i64: 2048, 128>}, {transform_indices = @transform_2, window_bounds = array<i64: 2048, 128>}, {transform_indices = @transform_3, window_bounds = array<i64: 512, 128>}]} {
    %get3A = arith.constant 0 : index
    %get3A_0 = arith.constant 0 : index
    %get3A_1 = vector.load %arg2[%get3A, %get3A_0] : memref<512x128xf32, #tpu.memory_space<vmem>>, vector<512x64xf32>
    %mul3A = arith.constant 1.250000e-01 : f32
    %mul3A_2 = vector.broadcast %mul3A : f32 to vector<512x64xf32>
    %mul3A_3 = arith.mulf %get3A_1, %mul3A_2 : vector<512x64xf32>
    %get3A_4 = arith.constant 0 : index
    %get3A_5 = arith.constant 0 : index
    %get3A_6 = vector.load %arg3[%get3A_4, %get3A_5] : memref<2048x128xf32, #tpu.memory_space<vmem>>, vector<2048x64xf32>
    %get3A_7 = arith.constant 0 : index
    %get3A_8 = arith.constant 0 : index
    %get3A_9 = vector.load %arg4[%get3A_7, %get3A_8] : memref<2048x128xf32, #tpu.memory_space<vmem>>, vector<2048x64xf32>
    %convert_element_type3A = arith.truncf %mul3A_3 : vector<512x64xf32> to vector<512x64xbf16>
    %convert_element_type3A_10 = arith.truncf %get3A_6 : vector<2048x64xf32> to vector<2048x64xbf16>
    %dot_general3A = arith.constant dense<0.000000e+00> : vector<512x2048xf32>
    %dot_general3A_11 = tpu.matmul %convert_element_type3A, %convert_element_type3A_10, %dot_general3A {dimension_numbers = #tpu.dot_dimension_numbers<[1], [1], [0], [0], [0, 0, 1, 0], [], []>, transpose_lhs_hint = false} : vector<512x64xbf16>, vector<2048x64xbf16>, vector<512x2048xf32> -> vector<512x2048xf32>
    %reduce_max3A = arith.constant dense<0xFF800000> : vector<512xf32>
    %reduce_max3A_12 = vector.multi_reduction <maximumf>, %dot_general3A_11, %reduce_max3A [1] : vector<512x2048xf32> to vector<512xf32>
    %broadcast_in_dim3A = vector.shape_cast %reduce_max3A_12 : vector<512xf32> to vector<512x1xf32>
    %sub3A = vector.broadcast %broadcast_in_dim3A : vector<512x1xf32> to vector<512x2048xf32>
    %sub3A_13 = arith.subf %dot_general3A_11, %sub3A : vector<512x2048xf32>
    %exp3A = math.exp %sub3A_13 : vector<512x2048xf32>
    %reduce_sum3A = arith.constant dense<0.000000e+00> : vector<512xf32>
    %reduce_sum3A_14 = vector.multi_reduction <add>, %exp3A, %reduce_sum3A [1] : vector<512x2048xf32> to vector<512xf32>
    %broadcast_in_dim3A_15 = vector.shape_cast %reduce_sum3A_14 : vector<512xf32> to vector<512x1xf32>
    %div3A = vector.broadcast %broadcast_in_dim3A_15 : vector<512x1xf32> to vector<512x2048xf32>
    %div3A_16 = arith.divf %exp3A, %div3A : vector<512x2048xf32>
    %convert_element_type3A_17 = arith.truncf %div3A_16 : vector<512x2048xf32> to vector<512x2048xbf16>
    %convert_element_type3A_18 = arith.truncf %get3A_9 : vector<2048x64xf32> to vector<2048x64xbf16>
    %dot_general3A_19 = arith.constant dense<0.000000e+00> : vector<512x64xf32>
    %dot_general3A_20 = tpu.matmul %convert_element_type3A_17, %convert_element_type3A_18, %dot_general3A_19 {dimension_numbers = #tpu.dot_dimension_numbers<[1], [0], [0], [1], [0, 0, 1, 1], [], []>, transpose_lhs_hint = false} : vector<512x2048xbf16>, vector<2048x64xbf16>, vector<512x64xf32> -> vector<512x64xf32>
    %get3A_21 = arith.constant 0 : index
    %get3A_22 = arith.constant 64 : index
    %get3A_23 = vector.load %arg2[%get3A_21, %get3A_22] : memref<512x128xf32, #tpu.memory_space<vmem>>, vector<512x64xf32>
    %mul3A_24 = arith.constant 1.250000e-01 : f32
    %mul3A_25 = vector.broadcast %mul3A_24 : f32 to vector<512x64xf32>
    %mul3A_26 = arith.mulf %get3A_23, %mul3A_25 : vector<512x64xf32>
    %get3A_27 = arith.constant 0 : index
    %get3A_28 = arith.constant 64 : index
    %get3A_29 = vector.load %arg3[%get3A_27, %get3A_28] : memref<2048x128xf32, #tpu.memory_space<vmem>>, vector<2048x64xf32>
    %get3A_30 = arith.constant 0 : index
    %get3A_31 = arith.constant 64 : index
    %get3A_32 = vector.load %arg4[%get3A_30, %get3A_31] : memref<2048x128xf32, #tpu.memory_space<vmem>>, vector<2048x64xf32>
    %convert_element_type3A_33 = arith.truncf %mul3A_26 : vector<512x64xf32> to vector<512x64xbf16>
    %convert_element_type3A_34 = arith.truncf %get3A_29 : vector<2048x64xf32> to vector<2048x64xbf16>
    %dot_general3A_35 = arith.constant dense<0.000000e+00> : vector<512x2048xf32>
    %dot_general3A_36 = tpu.matmul %convert_element_type3A_33, %convert_element_type3A_34, %dot_general3A_35 {dimension_numbers = #tpu.dot_dimension_numbers<[1], [1], [0], [0], [0, 0, 1, 0], [], []>, transpose_lhs_hint = false} : vector<512x64xbf16>, vector<2048x64xbf16>, vector<512x2048xf32> -> vector<512x2048xf32>
    %reduce_max3A_37 = arith.constant dense<0xFF800000> : vector<512xf32>
    %reduce_max3A_38 = vector.multi_reduction <maximumf>, %dot_general3A_36, %reduce_max3A_37 [1] : vector<512x2048xf32> to vector<512xf32>
    %broadcast_in_dim3A_39 = vector.shape_cast %reduce_max3A_38 : vector<512xf32> to vector<512x1xf32>
    %sub3A_40 = vector.broadcast %broadcast_in_dim3A_39 : vector<512x1xf32> to vector<512x2048xf32>
    %sub3A_41 = arith.subf %dot_general3A_36, %sub3A_40 : vector<512x2048xf32>
    %exp3A_42 = math.exp %sub3A_41 : vector<512x2048xf32>
    %reduce_sum3A_43 = arith.constant dense<0.000000e+00> : vector<512xf32>
    %reduce_sum3A_44 = vector.multi_reduction <add>, %exp3A_42, %reduce_sum3A_43 [1] : vector<512x2048xf32> to vector<512xf32>
    %broadcast_in_dim3A_45 = vector.shape_cast %reduce_sum3A_44 : vector<512xf32> to vector<512x1xf32>
    %div3A_46 = vector.broadcast %broadcast_in_dim3A_45 : vector<512x1xf32> to vector<512x2048xf32>
    %div3A_47 = arith.divf %exp3A_42, %div3A_46 : vector<512x2048xf32>
    %convert_element_type3A_48 = arith.truncf %div3A_47 : vector<512x2048xf32> to vector<512x2048xbf16>
    %convert_element_type3A_49 = arith.truncf %get3A_32 : vector<2048x64xf32> to vector<2048x64xbf16>
    %dot_general3A_50 = arith.constant dense<0.000000e+00> : vector<512x64xf32>
    %dot_general3A_51 = tpu.matmul %convert_element_type3A_48, %convert_element_type3A_49, %dot_general3A_50 {dimension_numbers = #tpu.dot_dimension_numbers<[1], [0], [0], [1], [0, 0, 1, 1], [], []>, transpose_lhs_hint = false} : vector<512x2048xbf16>, vector<2048x64xbf16>, vector<512x64xf32> -> vector<512x64xf32>
    %concatenate3A = tpu.concatenate %dot_general3A_20, %dot_general3A_51 in 1 : vector<512x64xf32>, vector<512x64xf32> -> vector<512x128xf32>
    %swap3A = arith.constant 0 : index
    %swap3A_52 = arith.constant 0 : index
    %swap3A_53 = vector.load %arg5[%swap3A, %swap3A_52] : memref<512x128xf32, #tpu.memory_space<vmem>>, vector<512x128xf32>
    tpu.vector_store %arg5[%swap3A, %swap3A_52], %concatenate3A {strides = array<i32>} : memref<512x128xf32, #tpu.memory_space<vmem>>, vector<512x128xf32>,
    return
  }
  func.func @transform_0(%arg0: i32, %arg1: i32) -> (i32, i32) {
    %c0_i32 = arith.constant 0 : i32
    return %arg1, %arg0 : i32, i32
  }
  func.func @transform_1(%arg0: i32, %arg1: i32) -> (i32, i32) {
    %add3A = arith.constant 6 : i32
    %add3A_0 = arith.addi %add3A, %arg0 : i32
    %c0_i32 = arith.constant 0 : i32
    %c0_i32_1 = arith.constant 0 : i32
    return %c0_i32, %add3A_0 : i32, i32
  }
  func.func @transform_2(%arg0: i32, %arg1: i32) -> (i32, i32) {
    %add3A = arith.constant 12 : i32
    %add3A_0 = arith.addi %add3A, %arg0 : i32
    %c0_i32 = arith.constant 0 : i32
    %c0_i32_1 = arith.constant 0 : i32
    return %c0_i32, %add3A_0 : i32, i32
  }
  func.func @transform_3(%arg0: i32, %arg1: i32) -> (i32, i32) {
    %c0_i32 = arith.constant 0 : i32
    return %arg1, %arg0 : i32, i32
  }
}

module attributes {stable_mosaic.version = 14 : i64} {
  func.func @_ln_qkv_body(%arg0: i32, %arg1: i32, %arg2: memref<512x768xf32, #tpu.memory_space<vmem>>, %arg3: memref<1x768xf32, #tpu.memory_space<vmem>>, %arg4: memref<1x768xf32, #tpu.memory_space<vmem>>, %arg5: memref<768x768xf32, #tpu.memory_space<vmem>>, %arg6: memref<1x768xf32, #tpu.memory_space<vmem>>, %arg7: memref<512x768xf32, #tpu.memory_space<vmem>>) attributes {dimension_semantics = [#tpu.dimension_semantics<arbitrary>, #tpu.dimension_semantics<arbitrary>], iteration_bounds = array<i64: 4, 3>, scalar_prefetch = 0 : i64, scratch_operands = 0 : i64, tpu.core_type = #tpu.core_type<tc>, window_params = [{transform_indices = @transform_0, window_bounds = array<i64: 512, 768>}, {pipeline_mode = #tpu.pipeline_mode<synchronous>, transform_indices = @transform_1, window_bounds = array<i64: 1, 768>}, {pipeline_mode = #tpu.pipeline_mode<synchronous>, transform_indices = @transform_2, window_bounds = array<i64: 1, 768>}, {transform_indices = @transform_3, window_bounds = array<i64: 768, 768>}, {transform_indices = @transform_4, window_bounds = array<i64: 1, 768>}, {transform_indices = @transform_5, window_bounds = array<i64: 512, 768>}]} {
    %get3A = arith.constant 0 : index
    %get3A_0 = arith.constant 0 : index
    %get3A_1 = vector.load %arg2[%get3A, %get3A_0] : memref<512x768xf32, #tpu.memory_space<vmem>>, vector<512x768xf32>
    %get3A_2 = arith.constant 0 : index
    %get3A_3 = arith.constant 0 : index
    %get3A_4 = vector.load %arg3[%get3A_2, %get3A_3] : memref<1x768xf32, #tpu.memory_space<vmem>>, vector<1x768xf32>
    %get3A_5 = arith.constant 0 : index
    %get3A_6 = arith.constant 0 : index
    %get3A_7 = vector.load %arg4[%get3A_5, %get3A_6] : memref<1x768xf32, #tpu.memory_space<vmem>>, vector<1x768xf32>
    %reduce_sum3A = arith.constant dense<0.000000e+00> : vector<512xf32>
    %reduce_sum3A_8 = vector.multi_reduction <add>, %get3A_1, %reduce_sum3A [1] : vector<512x768xf32> to vector<512xf32>
    %broadcast_in_dim3A = vector.shape_cast %reduce_sum3A_8 : vector<512xf32> to vector<512x1xf32>
    %div3A = arith.constant 7.680000e+02 : f32
    %div3A_9 = vector.broadcast %div3A : f32 to vector<512x1xf32>
    %div3A_10 = arith.divf %broadcast_in_dim3A, %div3A_9 : vector<512x1xf32>
    %sub3A = vector.broadcast %div3A_10 : vector<512x1xf32> to vector<512x768xf32>
    %sub3A_11 = arith.subf %get3A_1, %sub3A : vector<512x768xf32>
    %integer_pow3A = arith.mulf %sub3A_11, %sub3A_11 : vector<512x768xf32>
    %reduce_sum3A_12 = arith.constant dense<0.000000e+00> : vector<512xf32>
    %reduce_sum3A_13 = vector.multi_reduction <add>, %integer_pow3A, %reduce_sum3A_12 [1] : vector<512x768xf32> to vector<512xf32>
    %broadcast_in_dim3A_14 = vector.shape_cast %reduce_sum3A_13 : vector<512xf32> to vector<512x1xf32>
    %div3A_15 = arith.constant 7.680000e+02 : f32
    %div3A_16 = vector.broadcast %div3A_15 : f32 to vector<512x1xf32>
    %div3A_17 = arith.divf %broadcast_in_dim3A_14, %div3A_16 : vector<512x1xf32>
    %sub3A_18 = vector.broadcast %div3A_10 : vector<512x1xf32> to vector<512x768xf32>
    %sub3A_19 = arith.subf %get3A_1, %sub3A_18 : vector<512x768xf32>
    %add3A = arith.constant 9.99999974E-6 : f32
    %add3A_20 = vector.broadcast %add3A : f32 to vector<512x1xf32>
    %add3A_21 = arith.addf %div3A_17, %add3A_20 : vector<512x1xf32>
    %sqrt3A = math.sqrt %add3A_21 : vector<512x1xf32>
    %div3A_22 = vector.broadcast %sqrt3A : vector<512x1xf32> to vector<512x768xf32>
    %div3A_23 = arith.divf %sub3A_19, %div3A_22 : vector<512x768xf32>
    %mul3A = vector.broadcast %get3A_4 : vector<1x768xf32> to vector<512x768xf32>
    %mul3A_24 = arith.mulf %div3A_23, %mul3A : vector<512x768xf32>
    %add3A_25 = vector.broadcast %get3A_7 : vector<1x768xf32> to vector<512x768xf32>
    %add3A_26 = arith.addf %mul3A_24, %add3A_25 : vector<512x768xf32>
    %get3A_27 = arith.constant 0 : index
    %get3A_28 = arith.constant 0 : index
    %get3A_29 = vector.load %arg5[%get3A_27, %get3A_28] : memref<768x768xf32, #tpu.memory_space<vmem>>, vector<768x768xf32>
    %convert_element_type3A = arith.truncf %add3A_26 : vector<512x768xf32> to vector<512x768xbf16>
    %convert_element_type3A_30 = arith.truncf %get3A_29 : vector<768x768xf32> to vector<768x768xbf16>
    %dot_general3A = arith.constant dense<0.000000e+00> : vector<512x768xf32>
    %dot_general3A_31 = tpu.matmul %convert_element_type3A, %convert_element_type3A_30, %dot_general3A {dimension_numbers = #tpu.dot_dimension_numbers<[1], [0], [0], [1], [0, 0, 1, 1], [], []>, transpose_lhs_hint = false} : vector<512x768xbf16>, vector<768x768xbf16>, vector<512x768xf32> -> vector<512x768xf32>
    %get3A_32 = arith.constant 0 : index
    %get3A_33 = arith.constant 0 : index
    %get3A_34 = vector.load %arg6[%get3A_32, %get3A_33] : memref<1x768xf32, #tpu.memory_space<vmem>>, vector<1x768xf32>
    %add3A_35 = vector.broadcast %get3A_34 : vector<1x768xf32> to vector<512x768xf32>
    %add3A_36 = arith.addf %dot_general3A_31, %add3A_35 : vector<512x768xf32>
    %swap3A = arith.constant 0 : index
    %swap3A_37 = arith.constant 0 : index
    %swap3A_38 = vector.load %arg7[%swap3A, %swap3A_37] : memref<512x768xf32, #tpu.memory_space<vmem>>, vector<512x768xf32>
    tpu.vector_store %arg7[%swap3A, %swap3A_37], %add3A_36 {strides = array<i32>} : memref<512x768xf32, #tpu.memory_space<vmem>>, vector<512x768xf32>,
    return
  }
  func.func @transform_0(%arg0: i32, %arg1: i32) -> (i32, i32) {
    %c0_i32 = arith.constant 0 : i32
    %c0_i32_0 = arith.constant 0 : i32
    return %arg0, %c0_i32 : i32, i32
  }
  func.func @transform_1(%arg0: i32, %arg1: i32) -> (i32, i32) {
    %c0_i32 = arith.constant 0 : i32
    %c0_i32_0 = arith.constant 0 : i32
    %c0_i32_1 = arith.constant 0 : i32
    return %c0_i32, %c0_i32_0 : i32, i32
  }
  func.func @transform_2(%arg0: i32, %arg1: i32) -> (i32, i32) {
    %c0_i32 = arith.constant 0 : i32
    %c0_i32_0 = arith.constant 0 : i32
    %c0_i32_1 = arith.constant 0 : i32
    return %c0_i32, %c0_i32_0 : i32, i32
  }
  func.func @transform_3(%arg0: i32, %arg1: i32) -> (i32, i32) {
    %c0_i32 = arith.constant 0 : i32
    %c0_i32_0 = arith.constant 0 : i32
    return %c0_i32, %arg1 : i32, i32
  }
  func.func @transform_4(%arg0: i32, %arg1: i32) -> (i32, i32) {
    %c0_i32 = arith.constant 0 : i32
    %c0_i32_0 = arith.constant 0 : i32
    return %c0_i32, %arg1 : i32, i32
  }
  func.func @transform_5(%arg0: i32, %arg1: i32) -> (i32, i32) {
    %c0_i32 = arith.constant 0 : i32
    return %arg0, %arg1 : i32, i32
  }
}

module attributes {stable_mosaic.version = 14 : i64} {
  func.func @_post_body(%arg0: i32, %arg1: memref<512x768xf32, #tpu.memory_space<vmem>>, %arg2: memref<768x768xf32, #tpu.memory_space<vmem>>, %arg3: memref<1x768xf32, #tpu.memory_space<vmem>>, %arg4: memref<512x768xf32, #tpu.memory_space<vmem>>, %arg5: memref<1x768xf32, #tpu.memory_space<vmem>>, %arg6: memref<1x768xf32, #tpu.memory_space<vmem>>, %arg7: memref<768x128xf32, #tpu.memory_space<vmem>>, %arg8: memref<512x768xf32, #tpu.memory_space<vmem>>, %arg9: memref<512x128xi32, #tpu.memory_space<vmem>>, %arg10: memref<512x128xf32, #tpu.memory_space<vmem>>) attributes {dimension_semantics = [#tpu.dimension_semantics<arbitrary>], iteration_bounds = array<i64: 4>, scalar_prefetch = 0 : i64, scratch_operands = 0 : i64, tpu.core_type = #tpu.core_type<tc>, window_params = [{transform_indices = @transform_0, window_bounds = array<i64: 512, 768>}, {pipeline_mode = #tpu.pipeline_mode<synchronous>, transform_indices = @transform_1, window_bounds = array<i64: 768, 768>}, {pipeline_mode = #tpu.pipeline_mode<synchronous>, transform_indices = @transform_2, window_bounds = array<i64: 1, 768>}, {transform_indices = @transform_3, window_bounds = array<i64: 512, 768>}, {pipeline_mode = #tpu.pipeline_mode<synchronous>, transform_indices = @transform_4, window_bounds = array<i64: 1, 768>}, {pipeline_mode = #tpu.pipeline_mode<synchronous>, transform_indices = @transform_5, window_bounds = array<i64: 1, 768>}, {pipeline_mode = #tpu.pipeline_mode<synchronous>, transform_indices = @transform_6, window_bounds = array<i64: 768, 128>}, {transform_indices = @transform_7, window_bounds = array<i64: 512, 768>}, {transform_indices = @transform_8, window_bounds = array<i64: 512, 128>}, {transform_indices = @transform_9, window_bounds = array<i64: 512, 128>}]} {
    %get3A = arith.constant 0 : index
    %get3A_0 = arith.constant 0 : index
    %get3A_1 = vector.load %arg4[%get3A, %get3A_0] : memref<512x768xf32, #tpu.memory_space<vmem>>, vector<512x768xf32>
    %get3A_2 = arith.constant 0 : index
    %get3A_3 = arith.constant 0 : index
    %get3A_4 = vector.load %arg1[%get3A_2, %get3A_3] : memref<512x768xf32, #tpu.memory_space<vmem>>, vector<512x768xf32>
    %get3A_5 = arith.constant 0 : index
    %get3A_6 = arith.constant 0 : index
    %get3A_7 = vector.load %arg2[%get3A_5, %get3A_6] : memref<768x768xf32, #tpu.memory_space<vmem>>, vector<768x768xf32>
    %convert_element_type3A = arith.truncf %get3A_4 : vector<512x768xf32> to vector<512x768xbf16>
    %convert_element_type3A_8 = arith.truncf %get3A_7 : vector<768x768xf32> to vector<768x768xbf16>
    %dot_general3A = arith.constant dense<0.000000e+00> : vector<512x768xf32>
    %dot_general3A_9 = tpu.matmul %convert_element_type3A, %convert_element_type3A_8, %dot_general3A {dimension_numbers = #tpu.dot_dimension_numbers<[1], [0], [0], [1], [0, 0, 1, 1], [], []>, transpose_lhs_hint = false} : vector<512x768xbf16>, vector<768x768xbf16>, vector<512x768xf32> -> vector<512x768xf32>
    %get3A_10 = arith.constant 0 : index
    %get3A_11 = arith.constant 0 : index
    %get3A_12 = vector.load %arg3[%get3A_10, %get3A_11] : memref<1x768xf32, #tpu.memory_space<vmem>>, vector<1x768xf32>
    %add3A = vector.broadcast %get3A_12 : vector<1x768xf32> to vector<512x768xf32>
    %add3A_13 = arith.addf %dot_general3A_9, %add3A : vector<512x768xf32>
    %add3A_14 = arith.addf %get3A_1, %add3A_13 : vector<512x768xf32>
    %get3A_15 = arith.constant 0 : index
    %get3A_16 = arith.constant 0 : index
    %get3A_17 = vector.load %arg5[%get3A_15, %get3A_16] : memref<1x768xf32, #tpu.memory_space<vmem>>, vector<1x768xf32>
    %get3A_18 = arith.constant 0 : index
    %get3A_19 = arith.constant 0 : index
    %get3A_20 = vector.load %arg6[%get3A_18, %get3A_19] : memref<1x768xf32, #tpu.memory_space<vmem>>, vector<1x768xf32>
    %reduce_sum3A = arith.constant dense<0.000000e+00> : vector<512xf32>
    %reduce_sum3A_21 = vector.multi_reduction <add>, %add3A_14, %reduce_sum3A [1] : vector<512x768xf32> to vector<512xf32>
    %broadcast_in_dim3A = vector.shape_cast %reduce_sum3A_21 : vector<512xf32> to vector<512x1xf32>
    %div3A = arith.constant 7.680000e+02 : f32
    %div3A_22 = vector.broadcast %div3A : f32 to vector<512x1xf32>
    %div3A_23 = arith.divf %broadcast_in_dim3A, %div3A_22 : vector<512x1xf32>
    %sub3A = vector.broadcast %div3A_23 : vector<512x1xf32> to vector<512x768xf32>
    %sub3A_24 = arith.subf %add3A_14, %sub3A : vector<512x768xf32>
    %integer_pow3A = arith.mulf %sub3A_24, %sub3A_24 : vector<512x768xf32>
    %reduce_sum3A_25 = arith.constant dense<0.000000e+00> : vector<512xf32>
    %reduce_sum3A_26 = vector.multi_reduction <add>, %integer_pow3A, %reduce_sum3A_25 [1] : vector<512x768xf32> to vector<512xf32>
    %broadcast_in_dim3A_27 = vector.shape_cast %reduce_sum3A_26 : vector<512xf32> to vector<512x1xf32>
    %div3A_28 = arith.constant 7.680000e+02 : f32
    %div3A_29 = vector.broadcast %div3A_28 : f32 to vector<512x1xf32>
    %div3A_30 = arith.divf %broadcast_in_dim3A_27, %div3A_29 : vector<512x1xf32>
    %sub3A_31 = vector.broadcast %div3A_23 : vector<512x1xf32> to vector<512x768xf32>
    %sub3A_32 = arith.subf %add3A_14, %sub3A_31 : vector<512x768xf32>
    %add3A_33 = arith.constant 9.99999974E-6 : f32
    %add3A_34 = vector.broadcast %add3A_33 : f32 to vector<512x1xf32>
    %add3A_35 = arith.addf %div3A_30, %add3A_34 : vector<512x1xf32>
    %sqrt3A = math.sqrt %add3A_35 : vector<512x1xf32>
    %div3A_36 = vector.broadcast %sqrt3A : vector<512x1xf32> to vector<512x768xf32>
    %div3A_37 = arith.divf %sub3A_32, %div3A_36 : vector<512x768xf32>
    %mul3A = vector.broadcast %get3A_17 : vector<1x768xf32> to vector<512x768xf32>
    %mul3A_38 = arith.mulf %div3A_37, %mul3A : vector<512x768xf32>
    %add3A_39 = vector.broadcast %get3A_20 : vector<1x768xf32> to vector<512x768xf32>
    %add3A_40 = arith.addf %mul3A_38, %add3A_39 : vector<512x768xf32>
    %swap3A = arith.constant 0 : index
    %swap3A_41 = arith.constant 0 : index
    %swap3A_42 = vector.load %arg8[%swap3A, %swap3A_41] : memref<512x768xf32, #tpu.memory_space<vmem>>, vector<512x768xf32>
    tpu.vector_store %arg8[%swap3A, %swap3A_41], %add3A_40 {strides = array<i32>} : memref<512x768xf32, #tpu.memory_space<vmem>>, vector<512x768xf32>,
    %get3A_43 = arith.constant 0 : index
    %get3A_44 = arith.constant 0 : index
    %get3A_45 = vector.load %arg7[%get3A_43, %get3A_44] : memref<768x128xf32, #tpu.memory_space<vmem>>, vector<768x128xf32>
    %convert_element_type3A_46 = arith.truncf %add3A_40 : vector<512x768xf32> to vector<512x768xbf16>
    %convert_element_type3A_47 = arith.truncf %get3A_45 : vector<768x128xf32> to vector<768x128xbf16>
    %dot_general3A_48 = arith.constant dense<0.000000e+00> : vector<512x128xf32>
    %dot_general3A_49 = tpu.matmul %convert_element_type3A_46, %convert_element_type3A_47, %dot_general3A_48 {dimension_numbers = #tpu.dot_dimension_numbers<[1], [0], [0], [1], [0, 0, 1, 1], [], []>, transpose_lhs_hint = false} : vector<512x768xbf16>, vector<768x128xbf16>, vector<512x128xf32> -> vector<512x128xf32>
    %iota3A = tpu.iota {dimensions = array<i32: 1>} : vector<512x128xi32>
    %lt3A = arith.constant 8 : i32
    %lt3A_50 = vector.broadcast %lt3A : i32 to vector<512x128xi32>
    %lt3A_51 = arith.cmpi slt, %iota3A, %lt3A_50 : vector<512x128xi32>
    %jit3A = arith.constant -1.000000e+30 : f32
    %broadcast_in_dim3A_52 = vector.broadcast %jit3A : f32 to vector<512x128xf32>
    %select_n3A = arith.select %lt3A_51, %dot_general3A_49, %broadcast_in_dim3A_52 : vector<512x128xi1>, vector<512x128xf32>
    %reduce_max3A = arith.constant dense<0xFF800000> : vector<512xf32>
    %reduce_max3A_53 = vector.multi_reduction <maximumf>, %select_n3A, %reduce_max3A [1] : vector<512x128xf32> to vector<512xf32>
    %broadcast_in_dim3A_54 = vector.shape_cast %reduce_max3A_53 : vector<512xf32> to vector<512x1xf32>
    %eq3A = vector.broadcast %broadcast_in_dim3A_54 : vector<512x1xf32> to vector<512x128xf32>
    %eq3A_55 = arith.cmpf oeq, %select_n3A, %eq3A : vector<512x128xf32>
    %jit3A_56 = arith.constant 1000000000 : i32
    %broadcast_in_dim3A_57 = vector.broadcast %jit3A_56 : i32 to vector<512x128xi32>
    %select_n3A_58 = arith.select %eq3A_55, %iota3A, %broadcast_in_dim3A_57 : vector<512x128xi1>, vector<512x128xi32>
    %reduce_min3A = arith.constant dense<2147483647> : vector<512xi32>
    %reduce_min3A_59 = vector.multi_reduction <minsi>, %select_n3A_58, %reduce_min3A [1] : vector<512x128xi32> to vector<512xi32>
    %broadcast_in_dim3A_60 = vector.shape_cast %reduce_min3A_59 : vector<512xi32> to vector<512x1xi32>
    %eq3A_61 = vector.broadcast %broadcast_in_dim3A_60 : vector<512x1xi32> to vector<512x128xi32>
    %eq3A_62 = arith.cmpi eq, %iota3A, %eq3A_61 : vector<512x128xi32>
    %jit3A_63 = arith.constant -1.000000e+30 : f32
    %broadcast_in_dim3A_64 = vector.broadcast %jit3A_63 : f32 to vector<512x128xf32>
    %select_n3A_65 = arith.select %eq3A_62, %broadcast_in_dim3A_64, %select_n3A : vector<512x128xi1>, vector<512x128xf32>
    %reduce_max3A_66 = arith.constant dense<0xFF800000> : vector<512xf32>
    %reduce_max3A_67 = vector.multi_reduction <maximumf>, %select_n3A_65, %reduce_max3A_66 [1] : vector<512x128xf32> to vector<512xf32>
    %broadcast_in_dim3A_68 = vector.shape_cast %reduce_max3A_67 : vector<512xf32> to vector<512x1xf32>
    %eq3A_69 = vector.broadcast %broadcast_in_dim3A_68 : vector<512x1xf32> to vector<512x128xf32>
    %eq3A_70 = arith.cmpf oeq, %select_n3A_65, %eq3A_69 : vector<512x128xf32>
    %jit3A_71 = arith.constant 1000000000 : i32
    %broadcast_in_dim3A_72 = vector.broadcast %jit3A_71 : i32 to vector<512x128xi32>
    %select_n3A_73 = arith.select %eq3A_70, %iota3A, %broadcast_in_dim3A_72 : vector<512x128xi1>, vector<512x128xi32>
    %reduce_min3A_74 = arith.constant dense<2147483647> : vector<512xi32>
    %reduce_min3A_75 = vector.multi_reduction <minsi>, %select_n3A_73, %reduce_min3A_74 [1] : vector<512x128xi32> to vector<512xi32>
    %broadcast_in_dim3A_76 = vector.shape_cast %reduce_min3A_75 : vector<512xi32> to vector<512x1xi32>
    %sub3A_77 = arith.subf %broadcast_in_dim3A_68, %broadcast_in_dim3A_54 : vector<512x1xf32>
    %exp3A = math.exp %sub3A_77 : vector<512x1xf32>
    %add3A_78 = arith.constant 1.000000e+00 : f32
    %add3A_79 = vector.broadcast %add3A_78 : f32 to vector<512x1xf32>
    %add3A_80 = arith.addf %add3A_79, %exp3A : vector<512x1xf32>
    %div3A_81 = arith.constant 2.000000e+00 : f32
    %div3A_82 = vector.broadcast %div3A_81 : f32 to vector<512x1xf32>
    %div3A_83 = arith.divf %div3A_82, %add3A_80 : vector<512x1xf32>
    %mul3A_84 = arith.constant 2.000000e+00 : f32
    %mul3A_85 = vector.broadcast %mul3A_84 : f32 to vector<512x1xf32>
    %mul3A_86 = arith.mulf %mul3A_85, %exp3A : vector<512x1xf32>
    %add3A_87 = arith.constant 1.000000e+00 : f32
    %add3A_88 = vector.broadcast %add3A_87 : f32 to vector<512x1xf32>
    %add3A_89 = arith.addf %add3A_88, %exp3A : vector<512x1xf32>
    %div3A_90 = arith.divf %mul3A_86, %add3A_89 : vector<512x1xf32>
    %eq3A_91 = arith.constant 0 : i32
    %eq3A_92 = vector.broadcast %eq3A_91 : i32 to vector<512x128xi32>
    %eq3A_93 = arith.cmpi eq, %iota3A, %eq3A_92 : vector<512x128xi32>
    %eq3A_94 = arith.constant 1 : i32
    %eq3A_95 = vector.broadcast %eq3A_94 : i32 to vector<512x128xi32>
    %eq3A_96 = arith.cmpi eq, %iota3A, %eq3A_95 : vector<512x128xi32>
    %jit3A_97 = arith.constant 0 : i32
    %broadcast_in_dim3A_98 = vector.shape_cast %broadcast_in_dim3A_76 : vector<512x1xi32> to vector<512x1xi32>
    %broadcast_in_dim3A_99 = vector.broadcast %broadcast_in_dim3A_98 : vector<512x1xi32> to vector<512x128xi32>
    %broadcast_in_dim3A_100 = vector.broadcast %jit3A_97 : i32 to vector<512x128xi32>
    %select_n3A_101 = arith.select %eq3A_96, %broadcast_in_dim3A_99, %broadcast_in_dim3A_100 : vector<512x128xi1>, vector<512x128xi32>
    %broadcast_in_dim3A_102 = vector.shape_cast %broadcast_in_dim3A_60 : vector<512x1xi32> to vector<512x1xi32>
    %broadcast_in_dim3A_103 = vector.broadcast %broadcast_in_dim3A_102 : vector<512x1xi32> to vector<512x128xi32>
    %select_n3A_104 = arith.select %eq3A_93, %broadcast_in_dim3A_103, %select_n3A_101 : vector<512x128xi1>, vector<512x128xi32>
    %swap3A_105 = arith.constant 0 : index
    %swap3A_106 = arith.constant 0 : index
    %swap3A_107 = vector.load %arg9[%swap3A_105, %swap3A_106] : memref<512x128xi32, #tpu.memory_space<vmem>>, vector<512x128xi32>
    tpu.vector_store %arg9[%swap3A_105, %swap3A_106], %select_n3A_104 {strides = array<i32>} : memref<512x128xi32, #tpu.memory_space<vmem>>, vector<512x128xi32>,
    %eq3A_108 = arith.constant 0 : i32
    %eq3A_109 = vector.broadcast %eq3A_108 : i32 to vector<512x128xi32>
    %eq3A_110 = arith.cmpi eq, %iota3A, %eq3A_109 : vector<512x128xi32>
    %eq3A_111 = arith.constant 1 : i32
    %eq3A_112 = vector.broadcast %eq3A_111 : i32 to vector<512x128xi32>
    %eq3A_113 = arith.cmpi eq, %iota3A, %eq3A_112 : vector<512x128xi32>
    %jit3A_114 = arith.constant 0.000000e+00 : f32
    %broadcast_in_dim3A_115 = vector.shape_cast %div3A_90 : vector<512x1xf32> to vector<512x1xf32>
    %broadcast_in_dim3A_116 = vector.broadcast %broadcast_in_dim3A_115 : vector<512x1xf32> to vector<512x128xf32>
    %broadcast_in_dim3A_117 = vector.broadcast %jit3A_114 : f32 to vector<512x128xf32>
    %select_n3A_118 = arith.select %eq3A_113, %broadcast_in_dim3A_116, %broadcast_in_dim3A_117 : vector<512x128xi1>, vector<512x128xf32>
    %broadcast_in_dim3A_119 = vector.shape_cast %div3A_83 : vector<512x1xf32> to vector<512x1xf32>
    %broadcast_in_dim3A_120 = vector.broadcast %broadcast_in_dim3A_119 : vector<512x1xf32> to vector<512x128xf32>
    %select_n3A_121 = arith.select %eq3A_110, %broadcast_in_dim3A_120, %select_n3A_118 : vector<512x128xi1>, vector<512x128xf32>
    %swap3A_122 = arith.constant 0 : index
    %swap3A_123 = arith.constant 0 : index
    %swap3A_124 = vector.load %arg10[%swap3A_122, %swap3A_123] : memref<512x128xf32, #tpu.memory_space<vmem>>, vector<512x128xf32>
    tpu.vector_store %arg10[%swap3A_122, %swap3A_123], %select_n3A_121 {strides = array<i32>} : memref<512x128xf32, #tpu.memory_space<vmem>>, vector<512x128xf32>,
    return
  }
  func.func @transform_0(%arg0: i32) -> (i32, i32) {
    %c0_i32 = arith.constant 0 : i32
    %c0_i32_0 = arith.constant 0 : i32
    return %arg0, %c0_i32 : i32, i32
  }
  func.func @transform_1(%arg0: i32) -> (i32, i32) {
    %c0_i32 = arith.constant 0 : i32
    %c0_i32_0 = arith.constant 0 : i32
    %c0_i32_1 = arith.constant 0 : i32
    return %c0_i32, %c0_i32_0 : i32, i32
  }
  func.func @transform_2(%arg0: i32) -> (i32, i32) {
    %c0_i32 = arith.constant 0 : i32
    %c0_i32_0 = arith.constant 0 : i32
    %c0_i32_1 = arith.constant 0 : i32
    return %c0_i32, %c0_i32_0 : i32, i32
  }
  func.func @transform_3(%arg0: i32) -> (i32, i32) {
    %c0_i32 = arith.constant 0 : i32
    %c0_i32_0 = arith.constant 0 : i32
    return %arg0, %c0_i32 : i32, i32
  }
  func.func @transform_4(%arg0: i32) -> (i32, i32) {
    %c0_i32 = arith.constant 0 : i32
    %c0_i32_0 = arith.constant 0 : i32
    %c0_i32_1 = arith.constant 0 : i32
    return %c0_i32, %c0_i32_0 : i32, i32
  }
  func.func @transform_5(%arg0: i32) -> (i32, i32) {
    %c0_i32 = arith.constant 0 : i32
    %c0_i32_0 = arith.constant 0 : i32
    %c0_i32_1 = arith.constant 0 : i32
    return %c0_i32, %c0_i32_0 : i32, i32
  }
  func.func @transform_6(%arg0: i32) -> (i32, i32) {
    %c0_i32 = arith.constant 0 : i32
    %c0_i32_0 = arith.constant 0 : i32
    %c0_i32_1 = arith.constant 0 : i32
    return %c0_i32, %c0_i32_0 : i32, i32
  }
  func.func @transform_7(%arg0: i32) -> (i32, i32) {
    %c0_i32 = arith.constant 0 : i32
    %c0_i32_0 = arith.constant 0 : i32
    return %arg0, %c0_i32 : i32, i32
  }
  func.func @transform_8(%arg0: i32) -> (i32, i32) {
    %c0_i32 = arith.constant 0 : i32
    %c0_i32_0 = arith.constant 0 : i32
    return %arg0, %c0_i32 : i32, i32
  }
  func.func @transform_9(%arg0: i32) -> (i32, i32) {
    %c0_i32 = arith.constant 0 : i32
    %c0_i32_0 = arith.constant 0 : i32
    return %arg0, %c0_i32 : i32, i32
  }
}

module attributes {stable_mosaic.version = 14 : i64} {
  func.func @_meta_body(%arg0: i32, %arg1: memref<2048x128xi32, #tpu.memory_space<vmem>>, %arg2: memref<2048x128xf32, #tpu.memory_space<vmem>>, %arg3: memref<4096x128xi32, #tpu.memory_space<vmem>>, %arg4: memref<8x128xi32, #tpu.memory_space<vmem>>, %arg5: memref<2048x128xf32, #tpu.memory_space<vmem>>, %arg6: memref<2048x128xf32, #tpu.memory_space<vmem>>) attributes {dimension_semantics = [#tpu.dimension_semantics<arbitrary>], iteration_bounds = array<i64: 1>, scalar_prefetch = 0 : i64, scratch_operands = 0 : i64, tpu.core_type = #tpu.core_type<tc>, window_params = [{pipeline_mode = #tpu.pipeline_mode<synchronous>, transform_indices = @transform_0, window_bounds = array<i64: 2048, 128>}, {pipeline_mode = #tpu.pipeline_mode<synchronous>, transform_indices = @transform_1, window_bounds = array<i64: 2048, 128>}, {pipeline_mode = #tpu.pipeline_mode<synchronous>, transform_indices = @transform_2, window_bounds = array<i64: 4096, 128>}, {pipeline_mode = #tpu.pipeline_mode<synchronous>, transform_indices = @transform_3, window_bounds = array<i64: 8, 128>}, {pipeline_mode = #tpu.pipeline_mode<synchronous>, transform_indices = @transform_4, window_bounds = array<i64: 2048, 128>}, {pipeline_mode = #tpu.pipeline_mode<synchronous>, transform_indices = @transform_5, window_bounds = array<i64: 2048, 128>}]} {
    %get3A = arith.constant 0 : index
    %get3A_0 = arith.constant 0 : index
    %get3A_1 = vector.load %arg1[%get3A, %get3A_0] : memref<2048x128xi32, #tpu.memory_space<vmem>>, vector<2048x128xi32>
    %get3A_2 = arith.constant 0 : index
    %get3A_3 = arith.constant 0 : index
    %get3A_4 = vector.load %arg2[%get3A_2, %get3A_3] : memref<2048x128xf32, #tpu.memory_space<vmem>>, vector<2048x128xf32>
    %slice3A = vector.extract_strided_slice %get3A_1 {offsets = [0, 0], sizes = [2048, 1], strides = [1, 1]} : vector<2048x128xi32> to vector<2048x1xi32>
    %slice3A_5 = vector.extract_strided_slice %get3A_1 {offsets = [0, 1], sizes = [2048, 1], strides = [1, 1]} : vector<2048x128xi32> to vector<2048x1xi32>
    %concatenate3A = tpu.concatenate %slice3A, %slice3A_5 in 0 : vector<2048x1xi32>, vector<2048x1xi32> -> vector<4096x1xi32>
    %iota3A = tpu.iota {dimensions = array<i32: 1>} : vector<4096x128xi32>
    %eq3A = vector.broadcast %concatenate3A : vector<4096x1xi32> to vector<4096x128xi32>
    %eq3A_6 = arith.cmpi eq, %iota3A, %eq3A : vector<4096x128xi32>
    %convert_element_type3A = arith.extui %eq3A_6 : vector<4096x128xi1> to vector<4096x128xi32>
    %convert_element_type3A_7 = arith.sitofp %convert_element_type3A : vector<4096x128xi32> to vector<4096x128xf32>
    %iota3A_8 = tpu.iota {dimensions = array<i32: 0>} : vector<512x512xi32>
    %iota3A_9 = tpu.iota {dimensions = array<i32: 1>} : vector<512x512xi32>
    %ge3A = arith.cmpi sge, %iota3A_8, %iota3A_9 : vector<512x512xi32>
    %convert_element_type3A_10 = arith.extui %ge3A : vector<512x512xi1> to vector<512x512xi32>
    %convert_element_type3A_11 = arith.sitofp %convert_element_type3A_10 : vector<512x512xi32> to vector<512x512xf32>
    %broadcast_in_dim3A = arith.constant 0.000000e+00 : f32
    %broadcast_in_dim3A_12 = vector.broadcast %broadcast_in_dim3A : f32 to vector<1x128xf32>
    %slice3A_13 = vector.extract_strided_slice %convert_element_type3A_7 {offsets = [0, 0], sizes = [512, 128], strides = [1, 1]} : vector<4096x128xf32> to vector<512x128xf32>
    %dot_general3A = arith.constant dense<0.000000e+00> : vector<512x128xf32>
    %dot_general3A_14 = tpu.matmul %convert_element_type3A_11, %slice3A_13, %dot_general3A {dimension_numbers = #tpu.dot_dimension_numbers<[1], [0], [0], [1], [0, 0, 1, 1], [], []>, transpose_lhs_hint = false} : vector<512x512xf32>, vector<512x128xf32>, vector<512x128xf32> -> vector<512x128xf32>
    %add3A = vector.broadcast %broadcast_in_dim3A_12 : vector<1x128xf32> to vector<512x128xf32>
    %add3A_15 = arith.addf %dot_general3A_14, %add3A : vector<512x128xf32>
    %slice3A_16 = vector.extract_strided_slice %add3A_15 {offsets = [511, 0], sizes = [1, 128], strides = [1, 1]} : vector<512x128xf32> to vector<1x128xf32>
    %slice3A_17 = vector.extract_strided_slice %convert_element_type3A_7 {offsets = [512, 0], sizes = [512, 128], strides = [1, 1]} : vector<4096x128xf32> to vector<512x128xf32>
    %dot_general3A_18 = arith.constant dense<0.000000e+00> : vector<512x128xf32>
    %dot_general3A_19 = tpu.matmul %convert_element_type3A_11, %slice3A_17, %dot_general3A_18 {dimension_numbers = #tpu.dot_dimension_numbers<[1], [0], [0], [1], [0, 0, 1, 1], [], []>, transpose_lhs_hint = false} : vector<512x512xf32>, vector<512x128xf32>, vector<512x128xf32> -> vector<512x128xf32>
    %add3A_20 = vector.broadcast %slice3A_16 : vector<1x128xf32> to vector<512x128xf32>
    %add3A_21 = arith.addf %dot_general3A_19, %add3A_20 : vector<512x128xf32>
    %slice3A_22 = vector.extract_strided_slice %add3A_21 {offsets = [511, 0], sizes = [1, 128], strides = [1, 1]} : vector<512x128xf32> to vector<1x128xf32>
    %slice3A_23 = vector.extract_strided_slice %convert_element_type3A_7 {offsets = [1024, 0], sizes = [512, 128], strides = [1, 1]} : vector<4096x128xf32> to vector<512x128xf32>
    %dot_general3A_24 = arith.constant dense<0.000000e+00> : vector<512x128xf32>
    %dot_general3A_25 = tpu.matmul %convert_element_type3A_11, %slice3A_23, %dot_general3A_24 {dimension_numbers = #tpu.dot_dimension_numbers<[1], [0], [0], [1], [0, 0, 1, 1], [], []>, transpose_lhs_hint = false} : vector<512x512xf32>, vector<512x128xf32>, vector<512x128xf32> -> vector<512x128xf32>
    %add3A_26 = vector.broadcast %slice3A_22 : vector<1x128xf32> to vector<512x128xf32>
    %add3A_27 = arith.addf %dot_general3A_25, %add3A_26 : vector<512x128xf32>
    %slice3A_28 = vector.extract_strided_slice %add3A_27 {offsets = [511, 0], sizes = [1, 128], strides = [1, 1]} : vector<512x128xf32> to vector<1x128xf32>
    %slice3A_29 = vector.extract_strided_slice %convert_element_type3A_7 {offsets = [1536, 0], sizes = [512, 128], strides = [1, 1]} : vector<4096x128xf32> to vector<512x128xf32>
    %dot_general3A_30 = arith.constant dense<0.000000e+00> : vector<512x128xf32>
    %dot_general3A_31 = tpu.matmul %convert_element_type3A_11, %slice3A_29, %dot_general3A_30 {dimension_numbers = #tpu.dot_dimension_numbers<[1], [0], [0], [1], [0, 0, 1, 1], [], []>, transpose_lhs_hint = false} : vector<512x512xf32>, vector<512x128xf32>, vector<512x128xf32> -> vector<512x128xf32>
    %add3A_32 = vector.broadcast %slice3A_28 : vector<1x128xf32> to vector<512x128xf32>
    %add3A_33 = arith.addf %dot_general3A_31, %add3A_32 : vector<512x128xf32>
    %slice3A_34 = vector.extract_strided_slice %add3A_33 {offsets = [511, 0], sizes = [1, 128], strides = [1, 1]} : vector<512x128xf32> to vector<1x128xf32>
    %slice3A_35 = vector.extract_strided_slice %convert_element_type3A_7 {offsets = [2048, 0], sizes = [512, 128], strides = [1, 1]} : vector<4096x128xf32> to vector<512x128xf32>
    %dot_general3A_36 = arith.constant dense<0.000000e+00> : vector<512x128xf32>
    %dot_general3A_37 = tpu.matmul %convert_element_type3A_11, %slice3A_35, %dot_general3A_36 {dimension_numbers = #tpu.dot_dimension_numbers<[1], [0], [0], [1], [0, 0, 1, 1], [], []>, transpose_lhs_hint = false} : vector<512x512xf32>, vector<512x128xf32>, vector<512x128xf32> -> vector<512x128xf32>
    %add3A_38 = vector.broadcast %slice3A_34 : vector<1x128xf32> to vector<512x128xf32>
    %add3A_39 = arith.addf %dot_general3A_37, %add3A_38 : vector<512x128xf32>
    %slice3A_40 = vector.extract_strided_slice %add3A_39 {offsets = [511, 0], sizes = [1, 128], strides = [1, 1]} : vector<512x128xf32> to vector<1x128xf32>
    %slice3A_41 = vector.extract_strided_slice %convert_element_type3A_7 {offsets = [2560, 0], sizes = [512, 128], strides = [1, 1]} : vector<4096x128xf32> to vector<512x128xf32>
    %dot_general3A_42 = arith.constant dense<0.000000e+00> : vector<512x128xf32>
    %dot_general3A_43 = tpu.matmul %convert_element_type3A_11, %slice3A_41, %dot_general3A_42 {dimension_numbers = #tpu.dot_dimension_numbers<[1], [0], [0], [1], [0, 0, 1, 1], [], []>, transpose_lhs_hint = false} : vector<512x512xf32>, vector<512x128xf32>, vector<512x128xf32> -> vector<512x128xf32>
    %add3A_44 = vector.broadcast %slice3A_40 : vector<1x128xf32> to vector<512x128xf32>
    %add3A_45 = arith.addf %dot_general3A_43, %add3A_44 : vector<512x128xf32>
    %slice3A_46 = vector.extract_strided_slice %add3A_45 {offsets = [511, 0], sizes = [1, 128], strides = [1, 1]} : vector<512x128xf32> to vector<1x128xf32>
    %slice3A_47 = vector.extract_strided_slice %convert_element_type3A_7 {offsets = [3072, 0], sizes = [512, 128], strides = [1, 1]} : vector<4096x128xf32> to vector<512x128xf32>
    %dot_general3A_48 = arith.constant dense<0.000000e+00> : vector<512x128xf32>
    %dot_general3A_49 = tpu.matmul %convert_element_type3A_11, %slice3A_47, %dot_general3A_48 {dimension_numbers = #tpu.dot_dimension_numbers<[1], [0], [0], [1], [0, 0, 1, 1], [], []>, transpose_lhs_hint = false} : vector<512x512xf32>, vector<512x128xf32>, vector<512x128xf32> -> vector<512x128xf32>
    %add3A_50 = vector.broadcast %slice3A_46 : vector<1x128xf32> to vector<512x128xf32>
    %add3A_51 = arith.addf %dot_general3A_49, %add3A_50 : vector<512x128xf32>
    %slice3A_52 = vector.extract_strided_slice %add3A_51 {offsets = [511, 0], sizes = [1, 128], strides = [1, 1]} : vector<512x128xf32> to vector<1x128xf32>
    %slice3A_53 = vector.extract_strided_slice %convert_element_type3A_7 {offsets = [3584, 0], sizes = [512, 128], strides = [1, 1]} : vector<4096x128xf32> to vector<512x128xf32>
    %dot_general3A_54 = arith.constant dense<0.000000e+00> : vector<512x128xf32>
    %dot_general3A_55 = tpu.matmul %convert_element_type3A_11, %slice3A_53, %dot_general3A_54 {dimension_numbers = #tpu.dot_dimension_numbers<[1], [0], [0], [1], [0, 0, 1, 1], [], []>, transpose_lhs_hint = false} : vector<512x512xf32>, vector<512x128xf32>, vector<512x128xf32> -> vector<512x128xf32>
    %add3A_56 = vector.broadcast %slice3A_52 : vector<1x128xf32> to vector<512x128xf32>
    %add3A_57 = arith.addf %dot_general3A_55, %add3A_56 : vector<512x128xf32>
    %slice3A_58 = vector.extract_strided_slice %add3A_57 {offsets = [511, 0], sizes = [1, 128], strides = [1, 1]} : vector<512x128xf32> to vector<1x128xf32>
    %concatenate3A_59 = tpu.concatenate %add3A_15, %add3A_21, %add3A_27, %add3A_33, %add3A_39, %add3A_45, %add3A_51, %add3A_57 in 0 : vector<512x128xf32>, vector<512x128xf32>, vector<512x128xf32>, vector<512x128xf32>, vector<512x128xf32>, vector<512x128xf32>, vector<512x128xf32>, vector<512x128xf32> -> vector<4096x128xf32>
    %add3A_60 = arith.constant 2.550000e+02 : f32
    %add3A_61 = vector.broadcast %add3A_60 : f32 to vector<1x128xf32>
    %add3A_62 = arith.addf %slice3A_58, %add3A_61 : vector<1x128xf32>
    %div3A = arith.constant 2.560000e+02 : f32
    %div3A_63 = vector.broadcast %div3A : f32 to vector<1x128xf32>
    %div3A_64 = arith.divf %add3A_62, %div3A_63 : vector<1x128xf32>
    %floor3A = math.floor %div3A_64 : vector<1x128xf32>
    %mul3A = arith.constant 2.560000e+02 : f32
    %mul3A_65 = vector.broadcast %mul3A : f32 to vector<1x128xf32>
    %mul3A_66 = arith.mulf %floor3A, %mul3A_65 : vector<1x128xf32>
    %iota3A_67 = tpu.iota {dimensions = array<i32: 0>} : vector<128x128xi32>
    %iota3A_68 = tpu.iota {dimensions = array<i32: 1>} : vector<128x128xi32>
    %lt3A = arith.cmpi slt, %iota3A_67, %iota3A_68 : vector<128x128xi32>
    %convert_element_type3A_69 = arith.extui %lt3A : vector<128x128xi1> to vector<128x128xi32>
    %convert_element_type3A_70 = arith.sitofp %convert_element_type3A_69 : vector<128x128xi32> to vector<128x128xf32>
    %dot_general3A_71 = arith.constant dense<0.000000e+00> : vector<1x128xf32>
    %dot_general3A_72 = tpu.matmul %mul3A_66, %convert_element_type3A_70, %dot_general3A_71 {dimension_numbers = #tpu.dot_dimension_numbers<[1], [0], [0], [1], [0, 0, 1, 1], [], []>, transpose_lhs_hint = false} : vector<1x128xf32>, vector<128x128xf32>, vector<1x128xf32> -> vector<1x128xf32>
    %eq3A_73 = vector.broadcast %concatenate3A : vector<4096x1xi32> to vector<4096x128xi32>
    %eq3A_74 = arith.cmpi eq, %iota3A, %eq3A_73 : vector<4096x128xi32>
    %sub3A = arith.constant 1.000000e+00 : f32
    %sub3A_75 = vector.broadcast %sub3A : f32 to vector<4096x128xf32>
    %sub3A_76 = arith.subf %concatenate3A_59, %sub3A_75 : vector<4096x128xf32>
    %add3A_77 = vector.broadcast %dot_general3A_72 : vector<1x128xf32> to vector<4096x128xf32>
    %add3A_78 = arith.addf %sub3A_76, %add3A_77 : vector<4096x128xf32>
    %jit3A = arith.constant 0.000000e+00 : f32
    %broadcast_in_dim3A_79 = vector.broadcast %jit3A : f32 to vector<4096x128xf32>
    %select_n3A = arith.select %eq3A_74, %add3A_78, %broadcast_in_dim3A_79 : vector<4096x128xi1>, vector<4096x128xf32>
    %reduce_sum3A = arith.constant dense<0.000000e+00> : vector<4096xf32>
    %reduce_sum3A_80 = vector.multi_reduction <add>, %select_n3A, %reduce_sum3A [1] : vector<4096x128xf32> to vector<4096xf32>
    %broadcast_in_dim3A_81 = vector.shape_cast %reduce_sum3A_80 : vector<4096xf32> to vector<4096x1xf32>
    %broadcast_in_dim3A_82 = vector.shape_cast %broadcast_in_dim3A_81 : vector<4096x1xf32> to vector<4096x1xf32>
    %broadcast_in_dim3A_83 = vector.broadcast %broadcast_in_dim3A_82 : vector<4096x1xf32> to vector<4096x128xf32>
    %convert_element_type3A_84 = arith.fptosi %broadcast_in_dim3A_83 : vector<4096x128xf32> to vector<4096x128xi32>
    %swap3A = arith.constant 0 : index
    %swap3A_85 = arith.constant 0 : index
    %swap3A_86 = vector.load %arg3[%swap3A, %swap3A_85] : memref<4096x128xi32, #tpu.memory_space<vmem>>, vector<4096x128xi32>
    tpu.vector_store %arg3[%swap3A, %swap3A_85], %convert_element_type3A_84 {strides = array<i32>} : memref<4096x128xi32, #tpu.memory_space<vmem>>, vector<4096x128xi32>,
    %eq3A_87 = arith.cmpi eq, %iota3A_67, %iota3A_68 : vector<128x128xi32>
    %convert_element_type3A_88 = arith.extui %eq3A_87 : vector<128x128xi1> to vector<128x128xi32>
    %convert_element_type3A_89 = arith.sitofp %convert_element_type3A_88 : vector<128x128xi32> to vector<128x128xf32>
    %dot_general3A_90 = arith.constant dense<0.000000e+00> : vector<128x1xf32>
    %dot_general3A_91 = tpu.matmul %convert_element_type3A_89, %dot_general3A_72, %dot_general3A_90 {dimension_numbers = #tpu.dot_dimension_numbers<[1], [1], [0], [0], [0, 0, 1, 0], [], []>, transpose_lhs_hint = false} : vector<128x128xf32>, vector<1x128xf32>, vector<128x1xf32> -> vector<128x1xf32>
    %dot_general3A_92 = arith.constant dense<0.000000e+00> : vector<128x1xf32>
    %dot_general3A_93 = tpu.matmul %convert_element_type3A_89, %mul3A_66, %dot_general3A_92 {dimension_numbers = #tpu.dot_dimension_numbers<[1], [1], [0], [0], [0, 0, 1, 0], [], []>, transpose_lhs_hint = false} : vector<128x128xf32>, vector<1x128xf32>, vector<128x1xf32> -> vector<128x1xf32>
    %mul3A_94 = arith.constant 256 : i32
    %mul3A_95 = vector.broadcast %mul3A_94 : i32 to vector<128x128xi32>
    %mul3A_96 = arith.muli %iota3A_68, %mul3A_95 : vector<128x128xi32>
    %convert_element_type3A_97 = arith.sitofp %mul3A_96 : vector<128x128xi32> to vector<128x128xf32>
    %convert_element_type3A_98 = arith.sitofp %iota3A_67 : vector<128x128xi32> to vector<128x128xf32>
    %le3A = vector.broadcast %dot_general3A_91 : vector<128x1xf32> to vector<128x128xf32>
    %le3A_99 = arith.cmpf ole, %le3A, %convert_element_type3A_97 : vector<128x128xf32>
    %add3A_100 = arith.addf %dot_general3A_91, %dot_general3A_93 : vector<128x1xf32>
    %lt3A_101 = vector.broadcast %add3A_100 : vector<128x1xf32> to vector<128x128xf32>
    %lt3A_102 = arith.cmpf olt, %convert_element_type3A_97, %lt3A_101 : vector<128x128xf32>
    %and3A = arith.andi %le3A_99, %lt3A_102 : vector<128x128xi1>
    %lt3A_103 = arith.constant 8 : i32
    %lt3A_104 = vector.broadcast %lt3A_103 : i32 to vector<128x128xi32>
    %lt3A_105 = arith.cmpi slt, %iota3A_67, %lt3A_104 : vector<128x128xi32>
    %and3A_106 = arith.andi %and3A, %lt3A_105 : vector<128x128xi1>
    %jit3A_107 = arith.constant 0.000000e+00 : f32
    %broadcast_in_dim3A_108 = vector.broadcast %jit3A_107 : f32 to vector<128x128xf32>
    %select_n3A_109 = arith.select %and3A_106, %convert_element_type3A_98, %broadcast_in_dim3A_108 : vector<128x128xi1>, vector<128x128xf32>
    %reduce_sum3A_110 = arith.constant dense<0.000000e+00> : vector<128xf32>
    %reduce_sum3A_111 = vector.multi_reduction <add>, %select_n3A_109, %reduce_sum3A_110 [0] : vector<128x128xf32> to vector<128xf32>
    %broadcast_in_dim3A_112 = vector.shape_cast %reduce_sum3A_111 : vector<128xf32> to vector<1x128xf32>
    %convert_element_type3A_113 = arith.extui %and3A_106 : vector<128x128xi1> to vector<128x128xi32>
    %convert_element_type3A_114 = arith.sitofp %convert_element_type3A_113 : vector<128x128xi32> to vector<128x128xf32>
    %reduce_sum3A_115 = arith.constant dense<0.000000e+00> : vector<128xf32>
    %reduce_sum3A_116 = vector.multi_reduction <add>, %convert_element_type3A_114, %reduce_sum3A_115 [0] : vector<128x128xf32> to vector<128xf32>
    %broadcast_in_dim3A_117 = vector.shape_cast %reduce_sum3A_116 : vector<128xf32> to vector<1x128xf32>
    %reduce_sum3A_118 = arith.constant dense<0.000000e+00> : vector<1xf32>
    %reduce_sum3A_119 = vector.multi_reduction <add>, %mul3A_66, %reduce_sum3A_118 [1] : vector<1x128xf32> to vector<1xf32>
    %broadcast_in_dim3A_120 = vector.shape_cast %reduce_sum3A_119 : vector<1xf32> to vector<1x1xf32>
    %div3A_121 = arith.constant 2.560000e+02 : f32
    %div3A_122 = vector.broadcast %div3A_121 : f32 to vector<1x1xf32>
    %div3A_123 = arith.divf %broadcast_in_dim3A_120, %div3A_122 : vector<1x1xf32>
    %iota3A_124 = tpu.iota {dimensions = array<i32: 1>} : vector<1x128xi32>
    %convert_element_type3A_125 = arith.sitofp %iota3A_124 : vector<1x128xi32> to vector<1x128xf32>
    %sub3A_126 = arith.constant 1.000000e+00 : f32
    %sub3A_127 = vector.broadcast %sub3A_126 : f32 to vector<1x1xf32>
    %sub3A_128 = arith.subf %div3A_123, %sub3A_127 : vector<1x1xf32>
    %eq3A_129 = vector.broadcast %sub3A_128 : vector<1x1xf32> to vector<1x128xf32>
    %eq3A_130 = arith.cmpf oeq, %convert_element_type3A_125, %eq3A_129 : vector<1x128xf32>
    %jit3A_131 = arith.constant 0.000000e+00 : f32
    %broadcast_in_dim3A_132 = vector.broadcast %jit3A_131 : f32 to vector<1x128xf32>
    %select_n3A_133 = arith.select %eq3A_130, %broadcast_in_dim3A_112, %broadcast_in_dim3A_132 : vector<1x128xi1>, vector<1x128xf32>
    %reduce_sum3A_134 = arith.constant dense<0.000000e+00> : vector<1xf32>
    %reduce_sum3A_135 = vector.multi_reduction <add>, %select_n3A_133, %reduce_sum3A_134 [1] : vector<1x128xf32> to vector<1xf32>
    %broadcast_in_dim3A_136 = vector.shape_cast %reduce_sum3A_135 : vector<1xf32> to vector<1x1xf32>
    %gt3A = arith.constant 0.000000e+00 : f32
    %gt3A_137 = vector.broadcast %gt3A : f32 to vector<1x128xf32>
    %gt3A_138 = arith.cmpf ogt, %broadcast_in_dim3A_117, %gt3A_137 : vector<1x128xf32>
    %broadcast_in_dim3A_139 = vector.shape_cast %broadcast_in_dim3A_136 : vector<1x1xf32> to vector<1x1xf32>
    %broadcast_in_dim3A_140 = vector.broadcast %broadcast_in_dim3A_139 : vector<1x1xf32> to vector<1x128xf32>
    %select_n3A_141 = arith.select %gt3A_138, %broadcast_in_dim3A_112, %broadcast_in_dim3A_140 : vector<1x128xi1>, vector<1x128xf32>
    %iota3A_142 = tpu.iota {dimensions = array<i32: 0>} : vector<8x128xi32>
    %eq3A_143 = arith.constant 0 : i32
    %eq3A_144 = vector.broadcast %eq3A_143 : i32 to vector<8x128xi32>
    %eq3A_145 = arith.cmpi eq, %iota3A_142, %eq3A_144 : vector<8x128xi32>
    %eq3A_146 = arith.constant 1 : i32
    %eq3A_147 = vector.broadcast %eq3A_146 : i32 to vector<8x128xi32>
    %eq3A_148 = arith.cmpi eq, %iota3A_142, %eq3A_147 : vector<8x128xi32>
    %jit3A_149 = arith.constant 0.000000e+00 : f32
    %broadcast_in_dim3A_150 = vector.shape_cast %broadcast_in_dim3A_117 : vector<1x128xf32> to vector<1x128xf32>
    %broadcast_in_dim3A_151 = vector.broadcast %broadcast_in_dim3A_150 : vector<1x128xf32> to vector<8x128xf32>
    %broadcast_in_dim3A_152 = vector.broadcast %jit3A_149 : f32 to vector<8x128xf32>
    %select_n3A_153 = arith.select %eq3A_148, %broadcast_in_dim3A_151, %broadcast_in_dim3A_152 : vector<8x128xi1>, vector<8x128xf32>
    %broadcast_in_dim3A_154 = vector.shape_cast %select_n3A_141 : vector<1x128xf32> to vector<1x128xf32>
    %broadcast_in_dim3A_155 = vector.broadcast %broadcast_in_dim3A_154 : vector<1x128xf32> to vector<8x128xf32>
    %select_n3A_156 = arith.select %eq3A_145, %broadcast_in_dim3A_155, %select_n3A_153 : vector<8x128xi1>, vector<8x128xf32>
    %convert_element_type3A_157 = arith.fptosi %select_n3A_156 : vector<8x128xf32> to vector<8x128xi32>
    %swap3A_158 = arith.constant 0 : index
    %swap3A_159 = arith.constant 0 : index
    %swap3A_160 = vector.load %arg4[%swap3A_158, %swap3A_159] : memref<8x128xi32, #tpu.memory_space<vmem>>, vector<8x128xi32>
    tpu.vector_store %arg4[%swap3A_158, %swap3A_159], %convert_element_type3A_157 {strides = array<i32>} : memref<8x128xi32, #tpu.memory_space<vmem>>, vector<8x128xi32>,
    %slice3A_161 = vector.extract_strided_slice %get3A_4 {offsets = [0, 0], sizes = [2048, 1], strides = [1, 1]} : vector<2048x128xf32> to vector<2048x1xf32>
    %broadcast_in_dim3A_162 = vector.shape_cast %slice3A_161 : vector<2048x1xf32> to vector<2048x1xf32>
    %broadcast_in_dim3A_163 = vector.broadcast %broadcast_in_dim3A_162 : vector<2048x1xf32> to vector<2048x128xf32>
    %swap3A_164 = arith.constant 0 : index
    %swap3A_165 = arith.constant 0 : index
    %swap3A_166 = vector.load %arg5[%swap3A_164, %swap3A_165] : memref<2048x128xf32, #tpu.memory_space<vmem>>, vector<2048x128xf32>
    tpu.vector_store %arg5[%swap3A_164, %swap3A_165], %broadcast_in_dim3A_163 {strides = array<i32>} : memref<2048x128xf32, #tpu.memory_space<vmem>>, vector<2048x128xf32>,
    %slice3A_167 = vector.extract_strided_slice %get3A_4 {offsets = [0, 1], sizes = [2048, 1], strides = [1, 1]} : vector<2048x128xf32> to vector<2048x1xf32>
    %broadcast_in_dim3A_168 = vector.shape_cast %slice3A_167 : vector<2048x1xf32> to vector<2048x1xf32>
    %broadcast_in_dim3A_169 = vector.broadcast %broadcast_in_dim3A_168 : vector<2048x1xf32> to vector<2048x128xf32>
    %swap3A_170 = arith.constant 0 : index
    %swap3A_171 = arith.constant 0 : index
    %swap3A_172 = vector.load %arg6[%swap3A_170, %swap3A_171] : memref<2048x128xf32, #tpu.memory_space<vmem>>, vector<2048x128xf32>
    tpu.vector_store %arg6[%swap3A_170, %swap3A_171], %broadcast_in_dim3A_169 {strides = array<i32>} : memref<2048x128xf32, #tpu.memory_space<vmem>>, vector<2048x128xf32>,
    return
  }
  func.func @transform_0(%arg0: i32) -> (i32, i32) {
    %c0_i32 = arith.constant 0 : i32
    %c0_i32_0 = arith.constant 0 : i32
    %c0_i32_1 = arith.constant 0 : i32
    return %c0_i32, %c0_i32_0 : i32, i32
  }
  func.func @transform_1(%arg0: i32) -> (i32, i32) {
    %c0_i32 = arith.constant 0 : i32
    %c0_i32_0 = arith.constant 0 : i32
    %c0_i32_1 = arith.constant 0 : i32
    return %c0_i32, %c0_i32_0 : i32, i32
  }
  func.func @transform_2(%arg0: i32) -> (i32, i32) {
    %c0_i32 = arith.constant 0 : i32
    %c0_i32_0 = arith.constant 0 : i32
    %c0_i32_1 = arith.constant 0 : i32
    return %c0_i32, %c0_i32_0 : i32, i32
  }
  func.func @transform_3(%arg0: i32) -> (i32, i32) {
    %c0_i32 = arith.constant 0 : i32
    %c0_i32_0 = arith.constant 0 : i32
    %c0_i32_1 = arith.constant 0 : i32
    return %c0_i32, %c0_i32_0 : i32, i32
  }
  func.func @transform_4(%arg0: i32) -> (i32, i32) {
    %c0_i32 = arith.constant 0 : i32
    %c0_i32_0 = arith.constant 0 : i32
    %c0_i32_1 = arith.constant 0 : i32
    return %c0_i32, %c0_i32_0 : i32, i32
  }
  func.func @transform_5(%arg0: i32) -> (i32, i32) {
    %c0_i32 = arith.constant 0 : i32
    %c0_i32_0 = arith.constant 0 : i32
    %c0_i32_1 = arith.constant 0 : i32
    return %c0_i32, %c0_i32_0 : i32, i32
  }
}

module attributes {stable_mosaic.version = 14 : i64} {
  func.func @_add_body(%arg0: i32, %arg1: memref<512x768xf32, #tpu.memory_space<vmem>>, %arg2: memref<512x768xf32, #tpu.memory_space<vmem>>, %arg3: memref<512x768xf32, #tpu.memory_space<vmem>>) attributes {dimension_semantics = [#tpu.dimension_semantics<arbitrary>], iteration_bounds = array<i64: 4>, scalar_prefetch = 0 : i64, scratch_operands = 0 : i64, tpu.core_type = #tpu.core_type<tc>, window_params = [{transform_indices = @transform_0, window_bounds = array<i64: 512, 768>}, {transform_indices = @transform_1, window_bounds = array<i64: 512, 768>}, {transform_indices = @transform_2, window_bounds = array<i64: 512, 768>}]} {
    %get3A = arith.constant 0 : index
    %get3A_0 = arith.constant 0 : index
    %get3A_1 = vector.load %arg1[%get3A, %get3A_0] : memref<512x768xf32, #tpu.memory_space<vmem>>, vector<512x768xf32>
    %get3A_2 = arith.constant 0 : index
    %get3A_3 = arith.constant 0 : index
    %get3A_4 = vector.load %arg2[%get3A_2, %get3A_3] : memref<512x768xf32, #tpu.memory_space<vmem>>, vector<512x768xf32>
    %add3A = arith.addf %get3A_1, %get3A_4 : vector<512x768xf32>
    %swap3A = arith.constant 0 : index
    %swap3A_5 = arith.constant 0 : index
    %swap3A_6 = vector.load %arg3[%swap3A, %swap3A_5] : memref<512x768xf32, #tpu.memory_space<vmem>>, vector<512x768xf32>
    tpu.vector_store %arg3[%swap3A, %swap3A_5], %add3A {strides = array<i32>} : memref<512x768xf32, #tpu.memory_space<vmem>>, vector<512x768xf32>,
    return
  }
  func.func @transform_0(%arg0: i32) -> (i32, i32) {
    %c0_i32 = arith.constant 0 : i32
    %c0_i32_0 = arith.constant 0 : i32
    return %arg0, %c0_i32 : i32, i32
  }
  func.func @transform_1(%arg0: i32) -> (i32, i32) {
    %c0_i32 = arith.constant 0 : i32
    %c0_i32_0 = arith.constant 0 : i32
    return %arg0, %c0_i32 : i32, i32
  }
  func.func @transform_2(%arg0: i32) -> (i32, i32) {
    %c0_i32 = arith.constant 0 : i32
    %c0_i32_0 = arith.constant 0 : i32
    return %arg0, %c0_i32 : i32, i32
  }
}

module attributes {stable_mosaic.version = 14 : i64} {
  func.func @_ffn_body(%arg0: i32, %arg1: i32, %arg2: memref<23x2xi32, #tpu.memory_space<smem>>, %arg3: memref<256x768xf32, #tpu.memory_space<vmem>>, %arg4: memref<256x128xf32, #tpu.memory_space<vmem>>, %arg5: memref<1x768x1536xf32, #tpu.memory_space<vmem>>, %arg6: memref<1x1x1x1536xf32, #tpu.memory_space<vmem>>, %arg7: memref<1x1536x768xf32, #tpu.memory_space<vmem>>, %arg8: memref<1x1x1x768xf32, #tpu.memory_space<vmem>>, %arg9: memref<256x768xf32, #tpu.memory_space<vmem>>) attributes {dimension_semantics = [#tpu.dimension_semantics<arbitrary>, #tpu.dimension_semantics<arbitrary>], iteration_bounds = array<i64: 23, 2>, scalar_prefetch = 1 : i64, scratch_operands = 0 : i64, tpu.core_type = #tpu.core_type<tc>, window_params = [{transform_indices = @transform_0, window_bounds = array<i64: 256, 768>}, {transform_indices = @transform_1, window_bounds = array<i64: 256, 128>}, {transform_indices = @transform_2, window_bounds = array<i64: 1, 768, 1536>}, {transform_indices = @transform_3, window_bounds = array<i64: 1, 1, 1, 1536>}, {transform_indices = @transform_4, window_bounds = array<i64: 1, 1536, 768>}, {transform_indices = @transform_5, window_bounds = array<i64: 1, 1, 1, 768>}, {transform_indices = @transform_6, window_bounds = array<i64: 256, 768>}]} {
    %get3A = arith.index_cast %arg0 : i32 to index
    %get3A_0 = arith.constant 1 : index
    %get3A_1 = memref.load %arg2[%get3A, %get3A_0] : memref<23x2xi32, #tpu.memory_space<smem>>
    %eq3A = arith.constant 1 : i32
    %eq3A_2 = arith.cmpi eq, %get3A_1, %eq3A : i32
    %convert_element_type3A = arith.extui %eq3A_2 : i1 to i32
    %cond3A = arith.constant 0 : i32
    %cond3A_3 = arith.cmpi ne, %convert_element_type3A, %cond3A : i32
    scf.if %cond3A_3 {
      %get3A_4 = arith.constant 0 : index
      %get3A_5 = arith.constant 0 : index
      %get3A_6 = vector.load %arg3[%get3A_4, %get3A_5] : memref<256x768xf32, #tpu.memory_space<vmem>>, vector<256x768xf32>
      %get3A_7 = arith.constant 0 : index
      %get3A_8 = arith.constant 0 : index
      %get3A_9 = arith.constant 0 : index
      %get3A_10 = vector.load %arg5[%get3A_7, %get3A_8, %get3A_9] : memref<1x768x1536xf32, #tpu.memory_space<vmem>>, vector<1x768x1536xf32>
      %get3A_11 = vector.shape_cast %get3A_10 : vector<1x768x1536xf32> to vector<768x1536xf32>
      %convert_element_type3A_12 = arith.truncf %get3A_6 : vector<256x768xf32> to vector<256x768xbf16>
      %convert_element_type3A_13 = arith.truncf %get3A_11 : vector<768x1536xf32> to vector<768x1536xbf16>
      %dot_general3A = arith.constant dense<0.000000e+00> : vector<256x1536xf32>
      %dot_general3A_14 = tpu.matmul %convert_element_type3A_12, %convert_element_type3A_13, %dot_general3A {dimension_numbers = #tpu.dot_dimension_numbers<[1], [0], [0], [1], [0, 0, 1, 1], [], []>, transpose_lhs_hint = false} : vector<256x768xbf16>, vector<768x1536xbf16>, vector<256x1536xf32> -> vector<256x1536xf32>
      %get3A_15 = arith.constant 0 : index
      %get3A_16 = arith.constant 0 : index
      %get3A_17 = arith.constant 0 : index
      %get3A_18 = arith.constant 0 : index
      %get3A_19 = vector.load %arg6[%get3A_15, %get3A_16, %get3A_17, %get3A_18] : memref<1x1x1x1536xf32, #tpu.memory_space<vmem>>, vector<1x1x1x1536xf32>
      %get3A_20 = vector.shape_cast %get3A_19 : vector<1x1x1x1536xf32> to vector<1x1536xf32>
      %add3A = vector.broadcast %get3A_20 : vector<1x1536xf32> to vector<256x1536xf32>
      %add3A_21 = arith.addf %dot_general3A_14, %add3A : vector<256x1536xf32>
      %integer_pow3A = arith.mulf %add3A_21, %add3A_21 : vector<256x1536xf32>
      %integer_pow3A_22 = arith.mulf %add3A_21, %integer_pow3A : vector<256x1536xf32>
      %mul3A = arith.constant 4.471500e-02 : f32
      %mul3A_23 = vector.broadcast %mul3A : f32 to vector<256x1536xf32>
      %mul3A_24 = arith.mulf %mul3A_23, %integer_pow3A_22 : vector<256x1536xf32>
      %add3A_25 = arith.addf %add3A_21, %mul3A_24 : vector<256x1536xf32>
      %mul3A_26 = arith.constant 0.797884583 : f32
      %mul3A_27 = vector.broadcast %mul3A_26 : f32 to vector<256x1536xf32>
      %mul3A_28 = arith.mulf %mul3A_27, %add3A_25 : vector<256x1536xf32>
      %tanh3A = math.tanh %mul3A_28 : vector<256x1536xf32>
      %add3A_29 = arith.constant 1.000000e+00 : f32
      %add3A_30 = vector.broadcast %add3A_29 : f32 to vector<256x1536xf32>
      %add3A_31 = arith.addf %add3A_30, %tanh3A : vector<256x1536xf32>
      %mul3A_32 = arith.constant 5.000000e-01 : f32
      %mul3A_33 = vector.broadcast %mul3A_32 : f32 to vector<256x1536xf32>
      %mul3A_34 = arith.mulf %mul3A_33, %add3A_31 : vector<256x1536xf32>
      %mul3A_35 = arith.mulf %add3A_21, %mul3A_34 : vector<256x1536xf32>
      %get3A_36 = arith.constant 0 : index
      %get3A_37 = arith.constant 0 : index
      %get3A_38 = arith.constant 0 : index
      %get3A_39 = vector.load %arg7[%get3A_36, %get3A_37, %get3A_38] : memref<1x1536x768xf32, #tpu.memory_space<vmem>>, vector<1x1536x768xf32>
      %get3A_40 = vector.shape_cast %get3A_39 : vector<1x1536x768xf32> to vector<1536x768xf32>
      %convert_element_type3A_41 = arith.truncf %mul3A_35 : vector<256x1536xf32> to vector<256x1536xbf16>
      %convert_element_type3A_42 = arith.truncf %get3A_40 : vector<1536x768xf32> to vector<1536x768xbf16>
      %dot_general3A_43 = arith.constant dense<0.000000e+00> : vector<256x768xf32>
      %dot_general3A_44 = tpu.matmul %convert_element_type3A_41, %convert_element_type3A_42, %dot_general3A_43 {dimension_numbers = #tpu.dot_dimension_numbers<[1], [0], [0], [1], [0, 0, 1, 1], [], []>, transpose_lhs_hint = false} : vector<256x1536xbf16>, vector<1536x768xbf16>, vector<256x768xf32> -> vector<256x768xf32>
      %get3A_45 = arith.constant 0 : index
      %get3A_46 = arith.constant 0 : index
      %get3A_47 = vector.load %arg4[%get3A_45, %get3A_46] : memref<256x128xf32, #tpu.memory_space<vmem>>, vector<256x1xf32>
      %eq3A_48 = arith.constant 0 : i32
      %eq3A_49 = arith.cmpi eq, %arg1, %eq3A_48 : i32
      %convert_element_type3A_50 = arith.extui %eq3A_49 : i1 to i32
      %cond3A_51 = arith.constant 0 : i32
      %cond3A_52 = arith.cmpi ne, %convert_element_type3A_50, %cond3A_51 : i32
      scf.if %cond3A_52 {
        %get3A_58 = arith.constant 0 : index
        %get3A_59 = arith.constant 0 : index
        %get3A_60 = arith.constant 0 : index
        %get3A_61 = arith.constant 0 : index
        %get3A_62 = vector.load %arg8[%get3A_58, %get3A_59, %get3A_60, %get3A_61] : memref<1x1x1x768xf32, #tpu.memory_space<vmem>>, vector<1x1x1x768xf32>
        %get3A_63 = vector.shape_cast %get3A_62 : vector<1x1x1x768xf32> to vector<1x768xf32>
        %add3A_64 = vector.broadcast %get3A_63 : vector<1x768xf32> to vector<256x768xf32>
        %add3A_65 = arith.addf %dot_general3A_44, %add3A_64 : vector<256x768xf32>
        %mul3A_66 = vector.broadcast %get3A_47 : vector<256x1xf32> to vector<256x768xf32>
        %mul3A_67 = arith.mulf %add3A_65, %mul3A_66 : vector<256x768xf32>
        %swap3A = arith.constant 0 : index
        %swap3A_68 = arith.constant 0 : index
        %swap3A_69 = vector.load %arg9[%swap3A, %swap3A_68] : memref<256x768xf32, #tpu.memory_space<vmem>>, vector<256x768xf32>
        tpu.vector_store %arg9[%swap3A, %swap3A_68], %mul3A_67 {strides = array<i32>} : memref<256x768xf32, #tpu.memory_space<vmem>>, vector<256x768xf32>,
      } else {
      }
      %eq3A_53 = arith.constant 1 : i32
      %eq3A_54 = arith.cmpi eq, %arg1, %eq3A_53 : i32
      %convert_element_type3A_55 = arith.extui %eq3A_54 : i1 to i32
      %cond3A_56 = arith.constant 0 : i32
      %cond3A_57 = arith.cmpi ne, %convert_element_type3A_55, %cond3A_56 : i32
      scf.if %cond3A_57 {
        %get3A_58 = arith.constant 0 : index
        %get3A_59 = arith.constant 0 : index
        %get3A_60 = vector.load %arg9[%get3A_58, %get3A_59] : memref<256x768xf32, #tpu.memory_space<vmem>>, vector<256x768xf32>
        %mul3A_61 = vector.broadcast %get3A_47 : vector<256x1xf32> to vector<256x768xf32>
        %mul3A_62 = arith.mulf %dot_general3A_44, %mul3A_61 : vector<256x768xf32>
        %add3A_63 = arith.addf %get3A_60, %mul3A_62 : vector<256x768xf32>
        %swap3A = arith.constant 0 : index
        %swap3A_64 = arith.constant 0 : index
        %swap3A_65 = vector.load %arg9[%swap3A, %swap3A_64] : memref<256x768xf32, #tpu.memory_space<vmem>>, vector<256x768xf32>
        tpu.vector_store %arg9[%swap3A, %swap3A_64], %add3A_63 {strides = array<i32>} : memref<256x768xf32, #tpu.memory_space<vmem>>, vector<256x768xf32>,
      } else {
      }
    } else {
    }
    return
  }
  func.func @transform_0(%arg0: i32, %arg1: i32, %arg2: memref<23x2xi32, #tpu.memory_space<smem>>) -> (i32, i32) {
    %c0_i32 = arith.constant 0 : i32
    %c0_i32_0 = arith.constant 0 : i32
    return %arg0, %c0_i32 : i32, i32
  }
  func.func @transform_1(%arg0: i32, %arg1: i32, %arg2: memref<23x2xi32, #tpu.memory_space<smem>>) -> (i32, i32) {
    %c0_i32 = arith.constant 0 : i32
    %c0_i32_0 = arith.constant 0 : i32
    return %arg0, %c0_i32 : i32, i32
  }
  func.func @transform_2(%arg0: i32, %arg1: i32, %arg2: memref<23x2xi32, #tpu.memory_space<smem>>) -> (i32, i32, i32) {
    %get3A = arith.index_cast %arg0 : i32 to index
    %get3A_0 = arith.constant 0 : index
    %get3A_1 = memref.load %arg2[%get3A, %get3A_0] : memref<23x2xi32, #tpu.memory_space<smem>>
    %c0_i32 = arith.constant 0 : i32
    %c0_i32_2 = arith.constant 0 : i32
    return %get3A_1, %c0_i32, %arg1 : i32, i32, i32
  }
  func.func @transform_3(%arg0: i32, %arg1: i32, %arg2: memref<23x2xi32, #tpu.memory_space<smem>>) -> (i32, i32, i32, i32) {
    %get3A = arith.index_cast %arg0 : i32 to index
    %get3A_0 = arith.constant 0 : index
    %get3A_1 = memref.load %arg2[%get3A, %get3A_0] : memref<23x2xi32, #tpu.memory_space<smem>>
    %c0_i32 = arith.constant 0 : i32
    %c0_i32_2 = arith.constant 0 : i32
    %c0_i32_3 = arith.constant 0 : i32
    return %get3A_1, %arg1, %c0_i32, %c0_i32_2 : i32, i32, i32, i32
  }
  func.func @transform_4(%arg0: i32, %arg1: i32, %arg2: memref<23x2xi32, #tpu.memory_space<smem>>) -> (i32, i32, i32) {
    %get3A = arith.index_cast %arg0 : i32 to index
    %get3A_0 = arith.constant 0 : index
    %get3A_1 = memref.load %arg2[%get3A, %get3A_0] : memref<23x2xi32, #tpu.memory_space<smem>>
    %c0_i32 = arith.constant 0 : i32
    %c0_i32_2 = arith.constant 0 : i32
    return %get3A_1, %arg1, %c0_i32 : i32, i32, i32
  }
  func.func @transform_5(%arg0: i32, %arg1: i32, %arg2: memref<23x2xi32, #tpu.memory_space<smem>>) -> (i32, i32, i32, i32) {
    %get3A = arith.index_cast %arg0 : i32 to index
    %get3A_0 = arith.constant 0 : index
    %get3A_1 = memref.load %arg2[%get3A, %get3A_0] : memref<23x2xi32, #tpu.memory_space<smem>>
    %c0_i32 = arith.constant 0 : i32
    %c0_i32_2 = arith.constant 0 : i32
    %c0_i32_3 = arith.constant 0 : i32
    %c0_i32_4 = arith.constant 0 : i32
    return %get3A_1, %c0_i32, %c0_i32_2, %c0_i32_3 : i32, i32, i32, i32
  }
  func.func @transform_6(%arg0: i32, %arg1: i32, %arg2: memref<23x2xi32, #tpu.memory_space<smem>>) -> (i32, i32) {
    %c0_i32 = arith.constant 0 : i32
    %c0_i32_0 = arith.constant 0 : i32
    return %arg0, %c0_i32 : i32, i32
  }
}

</mosaic_0001>

<sc_bundles>
// kernel: kernel.10.cloned.1.call-start
scs
__scs_entry_jumppad:
0x0: {  	(pc) =	sbr.rel $0x88, $3  }
0x1: {  	(tag) =	ssettag $0x0;
	lr =	simm.s32 $0x1  }
0x2: {  	[smem:$0x3F93] =	sst lr;
	_ =	strace $0xD0000000  }
0x3: {  	_ = 	snop  }
0x4: {  	_ = 	snop  }
0x5: {  	_ = 	snop  }
0x6: {  	_ = 	snop  }
0x7: {  	_ = 	snop  }
__scs_overlays_trampoline_lowered:
0x8: {  	[smem:$0x3FA2] =	sst s0  }
0x9: {  	[smem:$0x3FA3] =	sst s1  }
0xa: {  	[smem:$0x3FA4] =	sst s2  }
0xb: {  	[smem:$0x3FA5] =	sst s3  }
0xc: {  	[smem:$0x3FA6] =	sst s4  }
0xd: {  	[smem:$0x3FA7] =	sst s5  }
0xe: {  	[smem:$0x3FA8] =	sst s6  }
0xf: {  	[smem:$0x3FA9] =	sst s7  }
0x10: {  	[smem:$0x3FAA] =	sst s8  }
0x11: {  	[smem:$0x3FAB] =	sst s9;
	s0 =	simm.s32 @!p0 $0x0  }
0x12: {  	s1 =	sld [smem:$0x3F91];
	s0 =	simm.s32 @p0 $0x1  }
0x13: {  	[smem:$0x3FAC] =	sst s0;
	s0 =	simm.s32 @!p1 $0x0  }
0x14: {  	s2 =	sld [smem:$0x3F90];
	s0 =	simm.s32 @p1 $0x1  }
0x15: {  	[smem:$0x3FAD] =	sst s0;
	s0 =	simm.s32 @!p2 $0x0  }
0x16: {  	s3 =	sld [smem:$0x3FDB];
	s0 =	simm.s32 @p2 $0x1  }
0x17: {  	s4 =	simm.s32 $0x1BF5;
	[smem:$0x3FAF] =	sst s0  }
0x18: {  	s0 =	sld [smem:$0x3F92];
	_ =	swait.ge [sflag:s4], $0x0  }
0x19: {  	s7 =	sld [smem:$0x3F93]  }
0x1a: {  	s8 =	sadd.s32 $0xFFFFE003, lr  }
0x1b: {  	s9 =	sadd.s32 $0xFFFFFEF7, lr;
	s5 =	simm.s32 $0xFFFFFFFF;
	p2 =	slt.u32 s8, $0xFFFFF086  }
0x1c: {  	p1 =	slt.u32 s9, $0xF7A;
	s5 =	simm.s32 @!p2 $0x0  }
0x1d: {  	s5 =	simm.s32 @p1 $0x1;
	p0 =	seq.s32 s7, s2  }
0x1e: {  	s7 =	smul.u32 @!p0 $0xF7A, s2;
	p2 =	seq.s32 @!p0 s5, $0x0  }
0x1f: {  	s9 =	smul.u32 $0xF7A, s1;
	s8 =	simm.s32 @!p0 $0x1BF5;
	p2 =	por !p2, p0  }
0x20: {  	[sflag:s8] =	ssyncset.s32 @!p0 $0xFFFFF086;
	s6 =	sadd.s32 @!p0 s3, s7;
	s7 =	simm.s32 @!p0 $0x108  }
0x21: {  	s3 =	sadd.s32 s3, s9;
	s6 =	sadd.s32 @!p0 $0x88, s6;
	s7 =	simm.s32 @p2 $0x1082  }
0x22: {  	[simem:s7], [sflag:s8] =	dma.local @!p0 [hbm:s6], $0xF7A  }
0x23: {  	s9 =	sor.u32 $0xD0000000, s2;
	s6 =	simm.s32 $0x108;
	_ =	swait.ge @!p0 [sflag:s8], $0x0  }
0x24: {  	s3 =	sadd.s32 $0x88, s3;
	s6 =	simm.s32 @!p1 $0x1082;
	[sflag:s4] =	ssyncset.s32 $0xFFFFF086  }
0x25: {  	[simem:s6], [sflag:s4] =	dma.local [hbm:s3], $0xF7A  }
0x26: {  	[smem:$0x3F93] =	sst s1;
	(tag) =	ssettag s2;
	_ =	strace s9  }
0x27: {  	s1 =	sld [smem:$0x3FA3]  }
0x28: {  	s2 =	sld [smem:$0x3FA4]  }
0x29: {  	s4 =	sld [smem:$0x3FA6]  }
0x2a: {  	p0 =	seq.s32 s5, $0x0;
	s5 =	sld [smem:$0x3FA7]  }
0x2b: {  	s6 =	sld [smem:$0x3FA8]  }
0x2c: {  	s7 =	sld [smem:$0x3FA9]  }
0x2d: {  	s3 =	simm.s32 $0x108;
	s8 =	sld [smem:$0x3FAA]  }
0x2e: {  	s3 =	simm.s32 @!p0 $0x1082;
	s9 =	sld [smem:$0x3FAB]  }
0x2f: {  	lr =	sadd.s32 s0, s3;
	s0 =	sld [smem:$0x3FA2]  }
0x30: {  	s3 =	sld [smem:$0x3FA5]  }
0x31: {  	[smem:$0x3FAE] =	sst s10  }
0x32: {  	s10 =	sld [smem:$0x3FAC];
	_ =	sdelay $0x3  }
0x33: {  	p0 =	seq.s32 s10, $0x1;
	s10 =	sld [smem:$0x3FAE];
	_ =	sdelay $0x3  }
0x34: {  	[smem:$0x3FAE] =	sst s10  }
0x35: {  	s10 =	sld [smem:$0x3FAD];
	_ =	sdelay $0x3  }
0x36: {  	p1 =	seq.s32 s10, $0x1;
	s10 =	sld [smem:$0x3FAE];
	_ =	sdelay $0x3  }
0x37: {  	[smem:$0x3FAE] =	sst s10  }
0x38: {  	s10 =	sld [smem:$0x3FAF]  }
0x39: {  	_ = 	snop;
	(pc) =	sbr.ind lr, $3  }
0x3a: {  	_ = 	snop  }
0x3b: {  	_ = 	snop  }
0x3c: {  	p2 =	seq.s32 s10, $0x1;
	s10 =	sld [smem:$0x3FAE]  }
0x3d: {  	_ =	shalt  }
0x3e: {  	_ =	shalt  }
0x3f: {  	_ =	shalt  }
0x40: {  	_ =	shalt  }
0x41: {  	_ =	shalt  }
0x42: {  	_ =	shalt  }
0x43: {  	_ =	shalt  }
0x44: {  	_ =	shalt  }
0x45: {  	_ =	shalt  }
0x46: {  	_ =	shalt  }
0x47: {  	_ =	shalt  }
0x48: {  	_ =	shalt  }
0x49: {  	_ =	shalt  }
0x4a: {  	_ =	shalt  }
0x4b: {  	_ =	shalt  }
0x4c: {  	_ =	shalt  }
0x4d: {  	_ =	shalt  }
0x4e: {  	_ =	shalt  }
0x4f: {  	_ =	shalt  }
0x50: {  	_ =	shalt  }
0x51: {  	_ =	shalt  }
0x52: {  	_ =	shalt  }
0x53: {  	_ =	shalt  }
0x54: {  	_ =	shalt  }
0x55: {  	_ =	shalt  }
0x56: {  	_ =	shalt  }
0x57: {  	_ =	shalt  }
0x58: {  	_ =	shalt  }
0x59: {  	_ =	shalt  }
0x5a: {  	_ =	shalt  }
0x5b: {  	_ =	shalt  }
0x5c: {  	_ =	shalt  }
0x5d: {  	_ =	shalt  }
0x5e: {  	_ =	shalt  }
0x5f: {  	_ =	shalt  }
0x60: {  	_ =	shalt  }
0x61: {  	_ =	shalt  }
0x62: {  	_ =	shalt  }
0x63: {  	_ =	shalt  }
0x64: {  	_ =	shalt  }
0x65: {  	_ =	shalt  }
0x66: {  	_ =	shalt  }
0x67: {  	_ =	shalt  }
0x68: {  	_ =	shalt  }
0x69: {  	_ =	shalt  }
0x6a: {  	_ =	shalt  }
0x6b: {  	_ =	shalt  }
0x6c: {  	_ =	shalt  }
0x6d: {  	_ =	shalt  }
0x6e: {  	_ =	shalt  }
0x6f: {  	_ =	shalt  }
0x70: {  	_ =	shalt  }
0x71: {  	_ =	shalt  }
0x72: {  	_ =	shalt  }
0x73: {  	_ =	shalt  }
0x74: {  	_ =	shalt  }
0x75: {  	_ =	shalt  }
0x76: {  	_ =	shalt  }
0x77: {  	_ =	shalt  }
0x78: {  	_ =	shalt  }
0x79: {  	_ =	shalt  }
0x7a: {  	_ =	shalt  }
0x7b: {  	_ =	shalt  }
0x7c: {  	_ =	shalt  }
0x7d: {  	_ =	shalt  }
0x7e: {  	_ =	shalt  }
0x7f: {  	_ =	shalt  }
0x80: {  	_ =	shalt  }
0x81: {  	_ =	shalt  }
0x82: {  	_ =	shalt  }
0x83: {  	_ =	shalt  }
0x84: {  	_ =	shalt  }
0x85: {  	_ =	shalt  }
0x86: {  	_ =	shalt  }
0x87: {  	_ =	shalt  }
.Lfunc_end0:
.L_simem_size_0:
called_computation_lowered:
.L_overlay_start_0:
0x88: {  	s2 =	sld [smem:$0x3FD9]  }
0x89: {  	s3 =	sld [smem:$0x3FFE];
	_ =	sdelay $0x1  }
0x8a: {  	s1 =	srdreg.scid  }
0x8b: {  	s0 =	sand.u32 $0x1, s1  }
0x8c: {  	s17 =	sshll.u32 s0, $0xA;
	s2 =	sadd.s32 s3, s2  }
0x8d: {  	s2 =	sadd.s32 s2, s17  }
0x8e: {  	[smem:$0x3FBA] =	sst s2  }
0x8f: {  	_ = 	snop  }
0x90: {  	s2 =	sld [smem:$0x3FD0];
	(tm) =	ssettm $0x1  }
0x91: {  	s18 =	sld [smem:$0x3FFB];
	_ =	sdelay $0x3  }
0x92: {  	_ =	strace s18  }
0x93: {  	s3 =	sld [smem:$0x3FFC];
	_ =	sdelay $0x3  }
0x94: {  	_ =	strace s3  }
0x95: {  	s3 =	sld [smem:$0x3FFD];
	_ =	sdelay $0x3  }
0x96: {  	_ =	strace s3  }
0x97: {  	_ =	strace $0x8FFFFFFF  }
0x98: {  	s19 =	sld [smem:$0x3FDB];
	_ =	sdelay $0x1  }
0x99: {  	s4 =	simm.s32 $_scs_section_size  }
0x9a: {  	s5 =	simm.s32 $_size__tile_overlayer_lowered;
	s6 =	simm.s32 $_tile_overlayer_lowered  }
0x9b: {  	s22 =	simm.s32 $0x1BFF;
	s21 =	sshll.u32 s6, $0x1;
	s3 =	sadd.s32 s4, s19  }
0x9c: {  	s7 =	simm.s32 $0x0;
	s20 =	sshll.u32 s5, $0x1;
	s5 =	sadd.s32 s21, s3  }
0x9d: {  	[timem:s7], [sflag:s22] =	dma.local [hbm:s5], s20  }
0x9e: {  	_ =	swait.ge [sflag:s22], s20  }
0x9f: {  	s4 =	ssub.s32 $0x0, s20;
	[sflag:s22] =	ssyncset.done $0x0  }
0xa0: {  	[sflag:s22] =	ssyncadd.s32 s4;
	_ =	sdelay $0x1  }
0xa1: {  	s23 =	simm.s32 $0x1B8B  }
0xa2: {  	_ =	swait.ge [sflag:s23], $0x1  }
0xa3: {  	[sflag:s23] =	ssyncset.done $0x0  }
0xa4: {  	s25 =	simm.s32 $0x1B8E;
	s24 =	sld [smem:$0x3FFE];
	[sflag:s23] =	ssyncadd.s32 $0xFFFFFFFF  }
0xa5: {  	s26 =	simm.s32 $execute0_lowered;
	[smem:$0x3FD2] =	sst s25  }
0xa6: {  	s5 =	sshll.u32 s26, $0x1;
	_ =	strace $0x80000046;
	[dreg:$0x1] =	wrdreg $0xFFFFFFFF  }
0xa7: {  	s28 =	simm.s32 $_size_execute0_lowered;
	s3 =	sadd.s32 s3, s5;
	[dreg:$0x0] =	wrdreg $0x0  }
0xa8: {  	s5 =	sshll.u32 s28, $0x1;
	[dreg:$0x2] =	wrdreg s3  }
0xa9: {  	[dreg:$0x3] =	wrdreg s5  }
0xaa: {  	[dreg:$0x4] =	wrdreg $0xC0  }
0xab: {  	_ =	task [dreg:s7], $0x5FFFF  }
0xac: {  	[dreg:$0x1] =	wrdreg $0xFFFFFFFF  }
0xad: {  	[dreg:$0x0] =	wrdreg $0x60  }
0xae: {  	[dreg:$0x2] =	wrdreg s2  }
0xaf: {  	[dreg:$0x3] =	wrdreg s24  }
0xb0: {  	[dreg:$0x4] =	wrdreg $0x9  }
0xb1: {  	_ =	task.clear_ibuf [dreg:s7], $0x5FFFF;
	_ =	strace $0x90000046  }
0xb2: {  	s29 =	simm.s32 $0x9;
	_ =	strace $0x80000048  }
0xb3: {  	_ =	swait.ge [sflag:s29], $0x1  }
0xb4: {  	[sflag:s29] =	ssyncadd.s32 $0xFFFFFFFF  }
0xb5: {  	_ =	strace $0x90000048  }
0xb6: {  	_ =	sfence  }
0xb7: {  	s30 =	sld [smem:$0x0];
	_ =	sdelay $0x2  }
0xb8: {  	s31 =	sshll.u32 s1, $0xD;
	s1 =	sshrl.u32 s1, $0x2  }
0xb9: {  	s3 =	sand.u32 $0x4000, s31;
	s1 =	sadd.s32 s1, s30  }
0xba: {  	s0 =	sor.u32 s3, s0;
	s1 =	sshll.u32 s1, $0x11  }
0xbb: {  	s0 =	sor.u32 s1, s0  }
0xbc: {  	s0 =	sadd.s32 $0x8F2B, s0  }
0xbd: {  	[sflag:s0] =	ssyncadd.remote.s32 $0x1  }
0xbe: {  	_ =	sfence.sel $0xFFFF  }
0xbf: {  	[dreg:$0x0] =	wrdreg $0xFFFFFFFF;
	(pc) =	sbr.abs _section_cstart, $3  }
0xc0: {  	[dreg:$0x1] =	wrdreg $0xFFFFFFFF  }
0xc1: {  	_ =	task.clear_ibuf [dreg:s7], $0x2FFFF;
	_ =	strace $0x9FFFFFFF  }
0xc2: {  	(tm) =	ssettm $0x7FFFFFFF  }
0xc3: {  	_ =	shalt  }
tec
execute0_lowered:
.L_overlay_start_1:
0x0: {  	(tag) =	ssettag $0x1  }
0x1: {  	s0 =	srdreg.scid;
	s1 =	rddreg [dreg:$0x0]  }
0x2: {  	s2 =	stileid.u32;
	s6 =	rddreg [dreg:$0x1];
	s13 =	simm.s32 $0x1  }
0x3: {  	s19 =	simm.s32 $0x1100;
	s20 =	simm.s32 $0x1900;
	s21 =	simm.s32 $0x2100  }
0x4: {  	s22 =	simm.s32 $0x2900;
	s28 =	simm.s32 $0x5100;
	s29 =	simm.s32 $0x5900  }
0x5: {  	s30 =	simm.s32 $0x6100;
	s31 =	simm.s32 $0x6900;
	s11 =	simm.s32 $0x8900  }
0x6: {  	s12 =	simm.s32 $0x9100;
	s14 =	simm.s32 $0x9900;
	s10 =	simm.s32 $0xA100  }
0x7: {  	s16 =	simm.s32 $0xA900;
	s17 =	simm.s32 $0xB100;
	s18 =	simm.s32 $0xB900  }
0x8: {  	s0 =	sand.u32 $0x1, s0;
	s3 =	sshll.u32 s2, $0x7;
	s2 =	simm.s32 $0x0  }
0x9: {  	s26 =	sadd.s32 $0x12800, s6;
	s4 =	sshll.u32 s0, $0x6;
	[smem:$0x7FF] =	sst s2  }
0xa: {  	s0 =	ssub.s32 $0x2, s0;
	s3 =	sor.u32 s4, s3;
	_ =	strace $0x80000047  }
0xb: {  	s24 =	sshrl.u32 s0, $0x1;
	[dreg:$0x8] =	wrdreg s26;
	s4 =	sshrl.u32 s3, $0x3  }
0xc: {  	s26 =	simm.s32 $0x4900;
	s3 =	sshll.u32 s3, $0x4;
	s5 =	sadd.s32 s4, s6  }
0xd: {  	s0 =	ssub.s32 s0, s24;
	s24 =	simm.s32 $0x3900;
	s7 =	sadd.s32 $0x12600, s5  }
0xe: {  	s8 =	sadd.s32 s3, s6;
	s5 =	sadd.s32 $0x12400, s5;
	[dreg:$0x3] =	wrdreg s7  }
0xf: {  	s4 =	smul.u32 $0x300, s4;
	s23 =	sadd.s32 $0x2400, s8;
	[dreg:$0x4] =	wrdreg s5  }
0x10: {  	s3 =	sadd.s32 $0x29800, s6;
	s25 =	sadd.s32 $0xA400, s8;
	[dreg:$0x6] =	wrdreg s23  }
0x11: {  	v2 =	vlaneseq.u32;
	s8 =	simm.s32 $0x2;
	s1 =	sadd.s32 s1, s4;
	[dreg:$0x7] =	wrdreg s25  }
0x12: {  	vm0 =	vmmov $0xffff;
	v1 =	vshrl.u32 v2, $0x3;
	s5 =	sadd.s32 $0x29900, s6;
	s6 =	sadd.s32 $0x29A00, s6;
	s7 =	smax.u32 s0, $0x1  }
0x13: {  	v0 =	vand.u32 $0x7, v2;
	v2 =	vor.u32 $0x8, v2;
	v1 =	vmul.u32 $0x8, v1;
	s23 =	simm.s32 $0x3100;
	s25 =	simm.s32 $0x4100;
	[dreg:$0x5] =	wrdreg s1  }
.LBB2_1:
0x14: {  	s15 =	rddreg [dreg:$0x3]  }
0x15: {  	[tilespmem:s2], [sflag:$0x2] =	stream.linear.gather [hbm4b:s15+s2], $0x40, $0x38;
	[tilespmem:$0x10100] =	vst v63  }
0x16: {  	_ =	swait.ge [sflag:s8], $0x40  }
0x17: {  	[sflag:s8] =	ssyncset.done $0x0  }
0x18: {  	s0 =	simm.s32 $0x80;
	s9 =	rddreg [dreg:$0x4];
	[sflag:s8] =	ssyncadd.s32 $0xFFFFFFC0  }
0x19: {  	[tilespmem:s0], [sflag:$0x2] =	stream.linear.gather [hbm4b:s9+s2], $0x40, $0x38;
	[tilespmem:$0x10100] =	vst v63  }
0x1a: {  	_ =	swait.ge [sflag:s8], $0x40  }
0x1b: {  	[sflag:s8] =	ssyncset.done $0x0  }
0x1c: {  	s4 =	simm.s32 $0x100;
	s0 =	rddreg [dreg:$0x5];
	[sflag:s8] =	ssyncadd.s32 $0xFFFFFFC0  }
0x1d: {  	[tilespmem:s4], [sflag:$0x2] =	stream.linear.gather [hbm4b:s0+s2], $0xC000, $0x38;
	[tilespmem:$0x10100] =	vst v63  }
0x1e: {  	_ =	swait.ge [sflag:s8], $0xC000  }
0x1f: {  	[sflag:s8] =	ssyncset.done $0x0  }
0x20: {  	s9 =	simm.s32 $0xC100;
	s1 =	rddreg [dreg:$0x6];
	[sflag:s8] =	ssyncadd.s32 $0xFFFF4000  }
0x21: {  	[tilespmem:s9], [sflag:$0x2] =	stream.linear.gather [hbm4b:s1+s2], $0x2000, $0x38;
	[tilespmem:$0x10100] =	vst v63  }
0x22: {  	_ =	swait.ge [sflag:s8], $0x2000  }
0x23: {  	[sflag:s8] =	ssyncset.done $0x0  }
0x24: {  	s9 =	simm.s32 $0xE100;
	s1 =	rddreg [dreg:$0x7];
	[sflag:s8] =	ssyncadd.s32 $0xFFFFE000  }
0x25: {  	[tilespmem:s9], [sflag:$0x2] =	stream.linear.gather [hbm4b:s1+s2], $0x2000, $0x38;
	[tilespmem:$0x10100] =	vst v63  }
0x26: {  	_ =	swait.ge [sflag:s8], $0x2000  }
0x27: {  	[sflag:s8] =	ssyncset.done $0x0  }
0x28: {  	[sflag:s8] =	ssyncadd.s32 $0xFFFFE000  }
0x29: {  	v3 =	vld [tilespmem:$0x0];
	_ =	sdelay $0x4  }
0x2a: {  	v4 =	vshrl.u32 v3, $0x3  }
0x2b: {  	v4 =	vmul.u32 $0x30, v4  }
0x2c: {  	v3 =	vand.u32 $0x7, v3  }
0x2d: {  	v3 =	vor.u32 v3, v4  }
0x2e: {  	v4 =	vperm.xlane v3, v0;
	_ =	sdelay $0x1  }
0x2f: {  	v4 =	vadd.s32 v1, v4;
	_ =	sdelay $0x3  }
0x30: {  	v3 =	vperm.xlane v3, v2  }
0x31: {  	[hbm4b:s3+s2] =	stream.indirect_vreg.scatter [tilespmem:s4], [sflag:$0x1], $0x80, v4, vm0, $0xb8;
	[tilespmem:$0x10100] =	vst v63  }
0x32: {  	s15 =	simm.s32 $0x900;
	v3 =	vadd.s32 v1, v3  }
0x33: {  	[hbm4b:s5+s2] =	stream.indirect_vreg.scatter [tilespmem:s15], [sflag:$0x1], $0x80, v4, vm0, $0xb8;
	[tilespmem:$0x10100] =	vst v63  }
0x34: {  	_ = 	snop  }
0x35: {  	[hbm4b:s6+s2] =	stream.indirect_vreg.scatter [tilespmem:s19], [sflag:$0x1], $0x80, v4, vm0, $0xb8;
	[tilespmem:$0x10100] =	vst v63  }
0x36: {  	_ = 	snop  }
0x37: {  	[hbm4b:s3+s2] =	stream.indirect_vreg.scatter [tilespmem:s20], [sflag:$0x1], $0x80, v3, vm0, $0xb8;
	[tilespmem:$0x10100] =	vst v63  }
0x38: {  	_ = 	snop  }
0x39: {  	[hbm4b:s5+s2] =	stream.indirect_vreg.scatter [tilespmem:s21], [sflag:$0x1], $0x80, v3, vm0, $0xb8;
	[tilespmem:$0x10100] =	vst v63  }
0x3a: {  	_ = 	snop  }
0x3b: {  	[hbm4b:s6+s2] =	stream.indirect_vreg.scatter [tilespmem:s22], [sflag:$0x1], $0x80, v3, vm0, $0xb8;
	[tilespmem:$0x10100] =	vst v63  }
0x3c: {  	v3 =	vld [tilespmem:$0x10];
	_ =	sdelay $0x4  }
0x3d: {  	v57 =	vshrl.u32 v3, $0x3  }
0x3e: {  	v4 =	vmul.u32 $0x30, v57  }
0x3f: {  	v3 =	vand.u32 $0x7, v3  }
0x40: {  	v3 =	vor.u32 v3, v4  }
0x41: {  	v4 =	vperm.xlane v3, v0;
	_ =	sdelay $0x1  }
0x42: {  	v4 =	vadd.s32 v1, v4;
	_ =	sdelay $0x3  }
0x43: {  	v3 =	vperm.xlane v3, v2  }
0x44: {  	[hbm4b:s3+s2] =	stream.indirect_vreg.scatter [tilespmem:s23], [sflag:$0x1], $0x80, v4, vm0, $0xb8;
	[tilespmem:$0x10100] =	vst v63  }
0x45: {  	v3 =	vadd.s32 v1, v3  }
0x46: {  	[hbm4b:s5+s2] =	stream.indirect_vreg.scatter [tilespmem:s24], [sflag:$0x1], $0x80, v4, vm0, $0xb8;
	[tilespmem:$0x10100] =	vst v63  }
0x47: {  	_ = 	snop  }
0x48: {  	[hbm4b:s6+s2] =	stream.indirect_vreg.scatter [tilespmem:s25], [sflag:$0x1], $0x80, v4, vm0, $0xb8;
	[tilespmem:$0x10100] =	vst v63  }
0x49: {  	_ = 	snop  }
0x4a: {  	[hbm4b:s3+s2] =	stream.indirect_vreg.scatter [tilespmem:s26], [sflag:$0x1], $0x80, v3, vm0, $0xb8;
	[tilespmem:$0x10100] =	vst v63  }
0x4b: {  	_ = 	snop  }
0x4c: {  	[hbm4b:s5+s2] =	stream.indirect_vreg.scatter [tilespmem:s28], [sflag:$0x1], $0x80, v3, vm0, $0xb8;
	[tilespmem:$0x10100] =	vst v63  }
0x4d: {  	_ = 	snop  }
0x4e: {  	[hbm4b:s6+s2] =	stream.indirect_vreg.scatter [tilespmem:s29], [sflag:$0x1], $0x80, v3, vm0, $0xb8;
	[tilespmem:$0x10100] =	vst v63  }
0x4f: {  	v3 =	vld [tilespmem:$0x20];
	_ =	sdelay $0x4  }
0x50: {  	v58 =	vshrl.u32 v3, $0x3  }
0x51: {  	v4 =	vmul.u32 $0x30, v58  }
0x52: {  	v3 =	vand.u32 $0x7, v3  }
0x53: {  	v3 =	vor.u32 v3, v4  }
0x54: {  	v4 =	vperm.xlane v3, v0;
	_ =	sdelay $0x1  }
0x55: {  	v4 =	vadd.s32 v1, v4;
	_ =	sdelay $0x3  }
0x56: {  	v3 =	vperm.xlane v3, v2  }
0x57: {  	[hbm4b:s3+s2] =	stream.indirect_vreg.scatter [tilespmem:s30], [sflag:$0x1], $0x80, v4, vm0, $0xb8;
	[tilespmem:$0x10100] =	vst v63  }
0x58: {  	v3 =	vadd.s32 v1, v3  }
0x59: {  	[hbm4b:s5+s2] =	stream.indirect_vreg.scatter [tilespmem:s31], [sflag:$0x1], $0x80, v4, vm0, $0xb8;
	[tilespmem:$0x10100] =	vst v63  }
0x5a: {  	s1 =	simm.s32 $0x7100  }
0x5b: {  	[hbm4b:s6+s2] =	stream.indirect_vreg.scatter [tilespmem:s1], [sflag:$0x1], $0x80, v4, vm0, $0xb8;
	[tilespmem:$0x10100] =	vst v63  }
0x5c: {  	s0 =	simm.s32 $0x7900  }
0x5d: {  	[hbm4b:s3+s2] =	stream.indirect_vreg.scatter [tilespmem:s0], [sflag:$0x1], $0x80, v3, vm0, $0xb8;
	[tilespmem:$0x10100] =	vst v63  }
0x5e: {  	s9 =	simm.s32 $0x8100  }
0x5f: {  	[hbm4b:s5+s2] =	stream.indirect_vreg.scatter [tilespmem:s9], [sflag:$0x1], $0x80, v3, vm0, $0xb8;
	[tilespmem:$0x10100] =	vst v63  }
0x60: {  	_ = 	snop  }
0x61: {  	[hbm4b:s6+s2] =	stream.indirect_vreg.scatter [tilespmem:s11], [sflag:$0x1], $0x80, v3, vm0, $0xb8;
	[tilespmem:$0x10100] =	vst v63  }
0x62: {  	v3 =	vld [tilespmem:$0x30];
	_ =	sdelay $0x4  }
0x63: {  	v59 =	vshrl.u32 v3, $0x3  }
0x64: {  	v4 =	vmul.u32 $0x30, v59  }
0x65: {  	v3 =	vand.u32 $0x7, v3  }
0x66: {  	v3 =	vor.u32 v3, v4  }
0x67: {  	v4 =	vperm.xlane v3, v0;
	_ =	sdelay $0x1  }
0x68: {  	v4 =	vadd.s32 v1, v4;
	_ =	sdelay $0x3  }
0x69: {  	v3 =	vperm.xlane v3, v2  }
0x6a: {  	[hbm4b:s3+s2] =	stream.indirect_vreg.scatter [tilespmem:s12], [sflag:$0x1], $0x80, v4, vm0, $0xb8;
	[tilespmem:$0x10100] =	vst v63  }
0x6b: {  	v3 =	vadd.s32 v1, v3  }
0x6c: {  	[hbm4b:s5+s2] =	stream.indirect_vreg.scatter [tilespmem:s14], [sflag:$0x1], $0x80, v4, vm0, $0xb8;
	[tilespmem:$0x10100] =	vst v63  }
0x6d: {  	_ = 	snop  }
0x6e: {  	[hbm4b:s6+s2] =	stream.indirect_vreg.scatter [tilespmem:s10], [sflag:$0x1], $0x80, v4, vm0, $0xb8;
	[tilespmem:$0x10100] =	vst v63  }
0x6f: {  	_ = 	snop  }
0x70: {  	[hbm4b:s3+s2] =	stream.indirect_vreg.scatter [tilespmem:s16], [sflag:$0x1], $0x80, v3, vm0, $0xb8;
	[tilespmem:$0x10100] =	vst v63  }
0x71: {  	_ = 	snop  }
0x72: {  	[hbm4b:s5+s2] =	stream.indirect_vreg.scatter [tilespmem:s17], [sflag:$0x1], $0x80, v3, vm0, $0xb8;
	[tilespmem:$0x10100] =	vst v63  }
0x73: {  	_ = 	snop  }
0x74: {  	[hbm4b:s6+s2] =	stream.indirect_vreg.scatter [tilespmem:s18], [sflag:$0x1], $0x80, v3, vm0, $0xb8;
	[tilespmem:$0x10100] =	vst v63  }
0x75: {  	_ =	swait.ge [sflag:s13], $0xC000  }
0x76: {  	[sflag:s13] =	ssyncset.done $0x0  }
0x77: {  	[sflag:s13] =	ssyncadd.s32 $0xFFFF4000  }
0x78: {  	v3 =	vld [tilespmem:$0x80];
	_ =	sdelay $0x4  }
0x79: {  	v60 =	vshrl.u32 v3, $0x3  }
0x7a: {  	v4 =	vmul.u32 $0x30, v60  }
0x7b: {  	v3 =	vand.u32 $0x7, v3  }
0x7c: {  	v3 =	vor.u32 v3, v4  }
0x7d: {  	v4 =	vperm.xlane v3, v0;
	_ =	sdelay $0x1  }
0x7e: {  	v4 =	vadd.s32 v1, v4;
	_ =	sdelay $0x3  }
0x7f: {  	v3 =	vperm.xlane v3, v2  }
0x80: {  	[hbm4b:s3+s2] =	stream.indirect_vreg.scatter [tilespmem:s4], [sflag:$0x1], $0x80, v4, vm0, $0xb8;
	[tilespmem:$0x10100] =	vst v63  }
0x81: {  	v3 =	vadd.s32 v1, v3  }
0x82: {  	[hbm4b:s5+s2] =	stream.indirect_vreg.scatter [tilespmem:s15], [sflag:$0x1], $0x80, v4, vm0, $0xb8;
	[tilespmem:$0x10100] =	vst v63  }
0x83: {  	_ = 	snop  }
0x84: {  	[hbm4b:s6+s2] =	stream.indirect_vreg.scatter [tilespmem:s19], [sflag:$0x1], $0x80, v4, vm0, $0xb8;
	[tilespmem:$0x10100] =	vst v63  }
0x85: {  	_ = 	snop  }
0x86: {  	[hbm4b:s3+s2] =	stream.indirect_vreg.scatter [tilespmem:s20], [sflag:$0x1], $0x80, v3, vm0, $0xb8;
	[tilespmem:$0x10100] =	vst v63  }
0x87: {  	_ = 	snop  }
0x88: {  	[hbm4b:s5+s2] =	stream.indirect_vreg.scatter [tilespmem:s21], [sflag:$0x1], $0x80, v3, vm0, $0xb8;
	[tilespmem:$0x10100] =	vst v63  }
0x89: {  	_ = 	snop  }
0x8a: {  	[hbm4b:s6+s2] =	stream.indirect_vreg.scatter [tilespmem:s22], [sflag:$0x1], $0x80, v3, vm0, $0xb8;
	[tilespmem:$0x10100] =	vst v63  }
0x8b: {  	v3 =	vld [tilespmem:$0x90];
	_ =	sdelay $0x4  }
0x8c: {  	v61 =	vshrl.u32 v3, $0x3  }
0x8d: {  	v4 =	vmul.u32 $0x30, v61  }
0x8e: {  	v3 =	vand.u32 $0x7, v3  }
0x8f: {  	v3 =	vor.u32 v3, v4  }
0x90: {  	v4 =	vperm.xlane v3, v0;
	_ =	sdelay $0x1  }
0x91: {  	v4 =	vadd.s32 v1, v4;
	_ =	sdelay $0x3  }
0x92: {  	v3 =	vperm.xlane v3, v2  }
0x93: {  	[hbm4b:s3+s2] =	stream.indirect_vreg.scatter [tilespmem:s23], [sflag:$0x1], $0x80, v4, vm0, $0xb8;
	[tilespmem:$0x10100] =	vst v63  }
0x94: {  	v3 =	vadd.s32 v1, v3  }
0x95: {  	[hbm4b:s5+s2] =	stream.indirect_vreg.scatter [tilespmem:s24], [sflag:$0x1], $0x80, v4, vm0, $0xb8;
	[tilespmem:$0x10100] =	vst v63  }
0x96: {  	_ = 	snop  }
0x97: {  	[hbm4b:s6+s2] =	stream.indirect_vreg.scatter [tilespmem:s25], [sflag:$0x1], $0x80, v4, vm0, $0xb8;
	[tilespmem:$0x10100] =	vst v63  }
0x98: {  	_ = 	snop  }
0x99: {  	[hbm4b:s3+s2] =	stream.indirect_vreg.scatter [tilespmem:s26], [sflag:$0x1], $0x80, v3, vm0, $0xb8;
	[tilespmem:$0x10100] =	vst v63  }
0x9a: {  	_ = 	snop  }
0x9b: {  	[hbm4b:s5+s2] =	stream.indirect_vreg.scatter [tilespmem:s28], [sflag:$0x1], $0x80, v3, vm0, $0xb8;
	[tilespmem:$0x10100] =	vst v63  }
0x9c: {  	_ = 	snop  }
0x9d: {  	[hbm4b:s6+s2] =	stream.indirect_vreg.scatter [tilespmem:s29], [sflag:$0x1], $0x80, v3, vm0, $0xb8;
	[tilespmem:$0x10100] =	vst v63  }
0x9e: {  	v3 =	vld [tilespmem:$0xA0];
	_ =	sdelay $0x4  }
0x9f: {  	v62 =	vshrl.u32 v3, $0x3  }
0xa0: {  	v4 =	vmul.u32 $0x30, v62  }
0xa1: {  	v3 =	vand.u32 $0x7, v3  }
0xa2: {  	v3 =	vor.u32 v3, v4  }
0xa3: {  	v4 =	vperm.xlane v3, v0;
	_ =	sdelay $0x1  }
0xa4: {  	v4 =	vadd.s32 v1, v4;
	_ =	sdelay $0x3  }
0xa5: {  	v3 =	vperm.xlane v3, v2  }
0xa6: {  	[hbm4b:s3+s2] =	stream.indirect_vreg.scatter [tilespmem:s30], [sflag:$0x1], $0x80, v4, vm0, $0xb8;
	[tilespmem:$0x10100] =	vst v63  }
0xa7: {  	v3 =	vadd.s32 v1, v3  }
0xa8: {  	[hbm4b:s5+s2] =	stream.indirect_vreg.scatter [tilespmem:s31], [sflag:$0x1], $0x80, v4, vm0, $0xb8;
	[tilespmem:$0x10100] =	vst v63  }
0xa9: {  	_ = 	snop  }
0xaa: {  	[hbm4b:s6+s2] =	stream.indirect_vreg.scatter [tilespmem:s1], [sflag:$0x1], $0x80, v4, vm0, $0xb8;
	[tilespmem:$0x10100] =	vst v63  }
0xab: {  	_ = 	snop  }
0xac: {  	[hbm4b:s3+s2] =	stream.indirect_vreg.scatter [tilespmem:s0], [sflag:$0x1], $0x80, v3, vm0, $0xb8;
	[tilespmem:$0x10100] =	vst v63  }
0xad: {  	_ = 	snop  }
0xae: {  	[hbm4b:s5+s2] =	stream.indirect_vreg.scatter [tilespmem:s9], [sflag:$0x1], $0x80, v3, vm0, $0xb8;
	[tilespmem:$0x10100] =	vst v63  }
0xaf: {  	_ = 	snop  }
0xb0: {  	[hbm4b:s6+s2] =	stream.indirect_vreg.scatter [tilespmem:s11], [sflag:$0x1], $0x80, v3, vm0, $0xb8;
	[tilespmem:$0x10100] =	vst v63  }
0xb1: {  	v3 =	vld [tilespmem:$0xB0];
	_ =	sdelay $0x4  }
0xb2: {  	v63 =	vshrl.u32 v3, $0x3  }
0xb3: {  	v4 =	vmul.u32 $0x30, v63  }
0xb4: {  	v3 =	vand.u32 $0x7, v3  }
0xb5: {  	v3 =	vor.u32 v3, v4  }
0xb6: {  	v4 =	vperm.xlane v3, v0;
	_ =	sdelay $0x1  }
0xb7: {  	v4 =	vadd.s32 v1, v4;
	_ =	sdelay $0x3  }
0xb8: {  	v3 =	vperm.xlane v3, v2  }
0xb9: {  	[hbm4b:s3+s2] =	stream.indirect_vreg.scatter [tilespmem:s12], [sflag:$0x1], $0x80, v4, vm0, $0xb8;
	[tilespmem:$0x10100] =	vst v63  }
0xba: {  	v3 =	vadd.s32 v1, v3  }
0xbb: {  	[hbm4b:s5+s2] =	stream.indirect_vreg.scatter [tilespmem:s14], [sflag:$0x1], $0x80, v4, vm0, $0xb8;
	[tilespmem:$0x10100] =	vst v63  }
0xbc: {  	_ = 	snop  }
0xbd: {  	[hbm4b:s6+s2] =	stream.indirect_vreg.scatter [tilespmem:s10], [sflag:$0x1], $0x80, v4, vm0, $0xb8;
	[tilespmem:$0x10100] =	vst v63  }
0xbe: {  	_ = 	snop  }
0xbf: {  	[hbm4b:s3+s2] =	stream.indirect_vreg.scatter [tilespmem:s16], [sflag:$0x1], $0x80, v3, vm0, $0xb8;
	[tilespmem:$0x10100] =	vst v63  }
0xc0: {  	_ = 	snop  }
0xc1: {  	[hbm4b:s5+s2] =	stream.indirect_vreg.scatter [tilespmem:s17], [sflag:$0x1], $0x80, v3, vm0, $0xb8;
	[tilespmem:$0x10100] =	vst v63  }
0xc2: {  	_ = 	snop  }
0xc3: {  	[hbm4b:s6+s2] =	stream.indirect_vreg.scatter [tilespmem:s18], [sflag:$0x1], $0x80, v3, vm0, $0xb8;
	[tilespmem:$0x10100] =	vst v63  }
0xc4: {  	_ =	swait.ge [sflag:s13], $0xC000  }
0xc5: {  	s15 =	simm.s32 $0xC100;
	[sflag:s13] =	ssyncset.done $0x0  }
0xc6: {  	s1 =	simm.s32 $0x40;
	s0 =	rddreg [dreg:$0x8];
	[sflag:s13] =	ssyncadd.s32 $0xFFFF4000  }
0xc7: {  	[hbm4b:s0+s1] =	stream.indirect.scatter [tilespmem:s15], [sflag:$0x1], $0x80, s2, s1, $0xb8;
	[tilespmem:$0x10100] =	vst v63  }
0xc8: {  	_ =	swait.ge [sflag:s13], $0x2000  }
0xc9: {  	p0 =	sne.s32 s7, $0x1;
	s9 =	simm.s32 $0x80;
	[sflag:s13] =	ssyncset.done $0x0  }
.Ltmp0:
0xca: {  	s15 =	simm.s32 $0xE100;
	[sflag:s13] =	ssyncadd.s32 $0xFFFFE000;
	(pc) =	sbr.rel @p0 .LBB2_1-.Ltmp0, $4  }
0xcb: {  	[hbm4b:s0+s1] =	stream.indirect.scatter [tilespmem:s15], [sflag:$0x1], $0x80, s9, s1, $0xb8;
	[tilespmem:$0x10100] =	vst v63  }
0xcc: {  	_ =	swait.ge [sflag:s13], $0x2000  }
0xcd: {  	[sflag:s13] =	ssyncset.done $0x0  }
0xce: {  	s7 =	sadd.s32 $0xFFFFFFFF, s7;
	[sflag:s13] =	ssyncadd.s32 $0xFFFFE000  }
0xcf: {  	_ =	sfence.sel $0x180000  }
0xd0: {  	[bflag:$0x0] =	sbarrier.arrive $0xFFFF  }
0xd1: {  	_ =	strace $0x90000047  }
0xd2: {  	s0 =	stileid.u32;
	[bflag:$0x2] =	sbarrier.arrive $0xFFFF  }
0xd3: {  	p0 =	sne.s32 s0, $0x0;
	s0 =	rddreg [dreg:$0x2]  }
0xd4: {  	s0 =	sadd.s32 @!p0 $0x100000, s0  }
0xd5: {  	[sflag:s0] =	ssyncadd.tile.s32 @!p0 $0x1;
	_ =	shalt  }
.Lfunc_end2:
_tile_overlayer_lowered:
.L_overlay_start_2:
0xd6: {  	(tag) =	ssettag $0x2  }
0xd7: {  	s0 =	rddreg [dreg:$0x0];
	s2 =	stileid.u32  }
0xd8: {  	s1 =	rddreg [dreg:$0x1];
	p0 =	sne.s32 s2, $0x0  }
0xd9: {  	s3 =	rddreg [dreg:$0x2];
	[bflag:$0x3] =	sbarrier.arrive $0xFFFF;
	s2 =	simm.s32 @!p0 $0x1C02  }
0xda: {  	[timem:s3], [sflag:s2] =	dma.local @!p0 [hbm:s0], s1  }
0xdb: {  	s0 =	simm.s32 @!p0 $0x2  }
0xdc: {  	_ =	swait.ge @!p0 [sflag:s0], s1  }
0xdd: {  	s1 =	ssub.s32 @!p0 $0x0, s1;
	[sflag:s0] =	ssyncset.done @!p0 $0x0  }
0xde: {  	[sflag:s0] =	ssyncadd.s32 @!p0 s1  }
0xdf: {  	[bflag:$0x3] =	sbarrier.arrive $0xFFFF  }
0xe0: {  	_ =	shalt  }

// kernel: kernel.13.cloned.1.call-start
scs
__scs_entry_jumppad:
0x0: {  	(pc) =	sbr.rel $0x88, $3  }
0x1: {  	(tag) =	ssettag $0x0;
	lr =	simm.s32 $0x1  }
0x2: {  	[smem:$0x3F93] =	sst lr;
	_ =	strace $0xD0000000  }
0x3: {  	_ = 	snop  }
0x4: {  	_ = 	snop  }
0x5: {  	_ = 	snop  }
0x6: {  	_ = 	snop  }
0x7: {  	_ = 	snop  }
__scs_overlays_trampoline_lowered:
0x8: {  	[smem:$0x3FA2] =	sst s0  }
0x9: {  	[smem:$0x3FA3] =	sst s1  }
0xa: {  	[smem:$0x3FA4] =	sst s2  }
0xb: {  	[smem:$0x3FA5] =	sst s3  }
0xc: {  	[smem:$0x3FA6] =	sst s4  }
0xd: {  	[smem:$0x3FA7] =	sst s5  }
0xe: {  	[smem:$0x3FA8] =	sst s6  }
0xf: {  	[smem:$0x3FA9] =	sst s7  }
0x10: {  	[smem:$0x3FAA] =	sst s8  }
0x11: {  	[smem:$0x3FAB] =	sst s9;
	s0 =	simm.s32 @!p0 $0x0  }
0x12: {  	s1 =	sld [smem:$0x3F91];
	s0 =	simm.s32 @p0 $0x1  }
0x13: {  	[smem:$0x3FAC] =	sst s0;
	s0 =	simm.s32 @!p1 $0x0  }
0x14: {  	s2 =	sld [smem:$0x3F90];
	s0 =	simm.s32 @p1 $0x1  }
0x15: {  	[smem:$0x3FAD] =	sst s0;
	s0 =	simm.s32 @!p2 $0x0  }
0x16: {  	s3 =	sld [smem:$0x3FDB];
	s0 =	simm.s32 @p2 $0x1  }
0x17: {  	s4 =	simm.s32 $0x1BF5;
	[smem:$0x3FAF] =	sst s0  }
0x18: {  	s0 =	sld [smem:$0x3F92];
	_ =	swait.ge [sflag:s4], $0x0  }
0x19: {  	s7 =	sld [smem:$0x3F93]  }
0x1a: {  	s8 =	sadd.s32 $0xFFFFE003, lr  }
0x1b: {  	s9 =	sadd.s32 $0xFFFFFEF7, lr;
	s5 =	simm.s32 $0xFFFFFFFF;
	p2 =	slt.u32 s8, $0xFFFFF086  }
0x1c: {  	p1 =	slt.u32 s9, $0xF7A;
	s5 =	simm.s32 @!p2 $0x0  }
0x1d: {  	s5 =	simm.s32 @p1 $0x1;
	p0 =	seq.s32 s7, s2  }
0x1e: {  	s7 =	smul.u32 @!p0 $0xF7A, s2;
	p2 =	seq.s32 @!p0 s5, $0x0  }
0x1f: {  	s9 =	smul.u32 $0xF7A, s1;
	s8 =	simm.s32 @!p0 $0x1BF5;
	p2 =	por !p2, p0  }
0x20: {  	[sflag:s8] =	ssyncset.s32 @!p0 $0xFFFFF086;
	s6 =	sadd.s32 @!p0 s3, s7;
	s7 =	simm.s32 @!p0 $0x108  }
0x21: {  	s3 =	sadd.s32 s3, s9;
	s6 =	sadd.s32 @!p0 $0x88, s6;
	s7 =	simm.s32 @p2 $0x1082  }
0x22: {  	[simem:s7], [sflag:s8] =	dma.local @!p0 [hbm:s6], $0xF7A  }
0x23: {  	s9 =	sor.u32 $0xD0000000, s2;
	s6 =	simm.s32 $0x108;
	_ =	swait.ge @!p0 [sflag:s8], $0x0  }
0x24: {  	s3 =	sadd.s32 $0x88, s3;
	s6 =	simm.s32 @!p1 $0x1082;
	[sflag:s4] =	ssyncset.s32 $0xFFFFF086  }
0x25: {  	[simem:s6], [sflag:s4] =	dma.local [hbm:s3], $0xF7A  }
0x26: {  	[smem:$0x3F93] =	sst s1;
	(tag) =	ssettag s2;
	_ =	strace s9  }
0x27: {  	s1 =	sld [smem:$0x3FA3]  }
0x28: {  	s2 =	sld [smem:$0x3FA4]  }
0x29: {  	s4 =	sld [smem:$0x3FA6]  }
0x2a: {  	p0 =	seq.s32 s5, $0x0;
	s5 =	sld [smem:$0x3FA7]  }
0x2b: {  	s6 =	sld [smem:$0x3FA8]  }
0x2c: {  	s7 =	sld [smem:$0x3FA9]  }
0x2d: {  	s3 =	simm.s32 $0x108;
	s8 =	sld [smem:$0x3FAA]  }
0x2e: {  	s3 =	simm.s32 @!p0 $0x1082;
	s9 =	sld [smem:$0x3FAB]  }
0x2f: {  	lr =	sadd.s32 s0, s3;
	s0 =	sld [smem:$0x3FA2]  }
0x30: {  	s3 =	sld [smem:$0x3FA5]  }
0x31: {  	[smem:$0x3FAE] =	sst s10  }
0x32: {  	s10 =	sld [smem:$0x3FAC];
	_ =	sdelay $0x3  }
0x33: {  	p0 =	seq.s32 s10, $0x1;
	s10 =	sld [smem:$0x3FAE];
	_ =	sdelay $0x3  }
0x34: {  	[smem:$0x3FAE] =	sst s10  }
0x35: {  	s10 =	sld [smem:$0x3FAD];
	_ =	sdelay $0x3  }
0x36: {  	p1 =	seq.s32 s10, $0x1;
	s10 =	sld [smem:$0x3FAE];
	_ =	sdelay $0x3  }
0x37: {  	[smem:$0x3FAE] =	sst s10  }
0x38: {  	s10 =	sld [smem:$0x3FAF]  }
0x39: {  	_ = 	snop;
	(pc) =	sbr.ind lr, $3  }
0x3a: {  	_ = 	snop  }
0x3b: {  	_ = 	snop  }
0x3c: {  	p2 =	seq.s32 s10, $0x1;
	s10 =	sld [smem:$0x3FAE]  }
0x3d: {  	_ =	shalt  }
0x3e: {  	_ =	shalt  }
0x3f: {  	_ =	shalt  }
0x40: {  	_ =	shalt  }
0x41: {  	_ =	shalt  }
0x42: {  	_ =	shalt  }
0x43: {  	_ =	shalt  }
0x44: {  	_ =	shalt  }
0x45: {  	_ =	shalt  }
0x46: {  	_ =	shalt  }
0x47: {  	_ =	shalt  }
0x48: {  	_ =	shalt  }
0x49: {  	_ =	shalt  }
0x4a: {  	_ =	shalt  }
0x4b: {  	_ =	shalt  }
0x4c: {  	_ =	shalt  }
0x4d: {  	_ =	shalt  }
0x4e: {  	_ =	shalt  }
0x4f: {  	_ =	shalt  }
0x50: {  	_ =	shalt  }
0x51: {  	_ =	shalt  }
0x52: {  	_ =	shalt  }
0x53: {  	_ =	shalt  }
0x54: {  	_ =	shalt  }
0x55: {  	_ =	shalt  }
0x56: {  	_ =	shalt  }
0x57: {  	_ =	shalt  }
0x58: {  	_ =	shalt  }
0x59: {  	_ =	shalt  }
0x5a: {  	_ =	shalt  }
0x5b: {  	_ =	shalt  }
0x5c: {  	_ =	shalt  }
0x5d: {  	_ =	shalt  }
0x5e: {  	_ =	shalt  }
0x5f: {  	_ =	shalt  }
0x60: {  	_ =	shalt  }
0x61: {  	_ =	shalt  }
0x62: {  	_ =	shalt  }
0x63: {  	_ =	shalt  }
0x64: {  	_ =	shalt  }
0x65: {  	_ =	shalt  }
0x66: {  	_ =	shalt  }
0x67: {  	_ =	shalt  }
0x68: {  	_ =	shalt  }
0x69: {  	_ =	shalt  }
0x6a: {  	_ =	shalt  }
0x6b: {  	_ =	shalt  }
0x6c: {  	_ =	shalt  }
0x6d: {  	_ =	shalt  }
0x6e: {  	_ =	shalt  }
0x6f: {  	_ =	shalt  }
0x70: {  	_ =	shalt  }
0x71: {  	_ =	shalt  }
0x72: {  	_ =	shalt  }
0x73: {  	_ =	shalt  }
0x74: {  	_ =	shalt  }
0x75: {  	_ =	shalt  }
0x76: {  	_ =	shalt  }
0x77: {  	_ =	shalt  }
0x78: {  	_ =	shalt  }
0x79: {  	_ =	shalt  }
0x7a: {  	_ =	shalt  }
0x7b: {  	_ =	shalt  }
0x7c: {  	_ =	shalt  }
0x7d: {  	_ =	shalt  }
0x7e: {  	_ =	shalt  }
0x7f: {  	_ =	shalt  }
0x80: {  	_ =	shalt  }
0x81: {  	_ =	shalt  }
0x82: {  	_ =	shalt  }
0x83: {  	_ =	shalt  }
0x84: {  	_ =	shalt  }
0x85: {  	_ =	shalt  }
0x86: {  	_ =	shalt  }
0x87: {  	_ =	shalt  }
.Lfunc_end0:
.L_simem_size_0:
called_computation.1_lowered:
.L_overlay_start_0:
0x88: {  	s2 =	sld [smem:$0x3FD9]  }
0x89: {  	s3 =	sld [smem:$0x3FFE];
	_ =	sdelay $0x1  }
0x8a: {  	s1 =	srdreg.scid  }
0x8b: {  	s0 =	sand.u32 $0x1, s1  }
0x8c: {  	s17 =	sshll.u32 s0, $0xA;
	s2 =	sadd.s32 s3, s2  }
0x8d: {  	s2 =	sadd.s32 s2, s17  }
0x8e: {  	[smem:$0x3FBA] =	sst s2  }
0x8f: {  	_ = 	snop  }
0x90: {  	s2 =	sld [smem:$0x3FD0];
	(tm) =	ssettm $0x1  }
0x91: {  	s18 =	sld [smem:$0x3FFB];
	_ =	sdelay $0x3  }
0x92: {  	_ =	strace s18  }
0x93: {  	s3 =	sld [smem:$0x3FFC];
	_ =	sdelay $0x3  }
0x94: {  	_ =	strace s3  }
0x95: {  	s3 =	sld [smem:$0x3FFD];
	_ =	sdelay $0x3  }
0x96: {  	_ =	strace s3  }
0x97: {  	_ =	strace $0x8FFFFFFF  }
0x98: {  	s19 =	sld [smem:$0x3FDB];
	_ =	sdelay $0x1  }
0x99: {  	s4 =	simm.s32 $_scs_section_size  }
0x9a: {  	s5 =	simm.s32 $_size__tile_overlayer_lowered;
	s6 =	simm.s32 $_tile_overlayer_lowered  }
0x9b: {  	s22 =	simm.s32 $0x1BFF;
	s21 =	sshll.u32 s6, $0x1;
	s3 =	sadd.s32 s4, s19  }
0x9c: {  	s7 =	simm.s32 $0x0;
	s20 =	sshll.u32 s5, $0x1;
	s5 =	sadd.s32 s21, s3  }
0x9d: {  	[timem:s7], [sflag:s22] =	dma.local [hbm:s5], s20  }
0x9e: {  	_ =	swait.ge [sflag:s22], s20  }
0x9f: {  	s4 =	ssub.s32 $0x0, s20;
	[sflag:s22] =	ssyncset.done $0x0  }
0xa0: {  	[sflag:s22] =	ssyncadd.s32 s4;
	_ =	sdelay $0x1  }
0xa1: {  	s23 =	simm.s32 $0x1B8B  }
0xa2: {  	_ =	swait.ge [sflag:s23], $0x1  }
0xa3: {  	[sflag:s23] =	ssyncset.done $0x0  }
0xa4: {  	s25 =	simm.s32 $0x1B8E;
	s24 =	sld [smem:$0x3FFE];
	[sflag:s23] =	ssyncadd.s32 $0xFFFFFFFF  }
0xa5: {  	s26 =	simm.s32 $execute0_lowered;
	[smem:$0x3FD2] =	sst s25  }
0xa6: {  	s5 =	sshll.u32 s26, $0x1;
	_ =	strace $0x80000049;
	[dreg:$0x1] =	wrdreg $0xFFFFFFFF  }
0xa7: {  	s28 =	simm.s32 $_size_execute0_lowered;
	s3 =	sadd.s32 s3, s5;
	[dreg:$0x0] =	wrdreg $0x0  }
0xa8: {  	s5 =	sshll.u32 s28, $0x1;
	[dreg:$0x2] =	wrdreg s3  }
0xa9: {  	[dreg:$0x3] =	wrdreg s5  }
0xaa: {  	[dreg:$0x4] =	wrdreg $0xC0  }
0xab: {  	_ =	task [dreg:s7], $0x5FFFF  }
0xac: {  	[dreg:$0x1] =	wrdreg $0xFFFFFFFF  }
0xad: {  	[dreg:$0x0] =	wrdreg $0x60  }
0xae: {  	[dreg:$0x2] =	wrdreg s24  }
0xaf: {  	[dreg:$0x3] =	wrdreg s2  }
0xb0: {  	[dreg:$0x4] =	wrdreg $0x9  }
0xb1: {  	_ =	task.clear_ibuf [dreg:s7], $0x5FFFF;
	_ =	strace $0x90000049  }
0xb2: {  	s29 =	simm.s32 $0x9;
	_ =	strace $0x8000004B  }
0xb3: {  	_ =	swait.ge [sflag:s29], $0x1  }
0xb4: {  	[sflag:s29] =	ssyncadd.s32 $0xFFFFFFFF  }
0xb5: {  	_ =	strace $0x9000004B  }
0xb6: {  	_ =	sfence  }
0xb7: {  	s30 =	sld [smem:$0x0];
	_ =	sdelay $0x2  }
0xb8: {  	s31 =	sshll.u32 s1, $0xD;
	s1 =	sshrl.u32 s1, $0x2  }
0xb9: {  	s3 =	sand.u32 $0x4000, s31;
	s1 =	sadd.s32 s1, s30  }
0xba: {  	s0 =	sor.u32 s3, s0;
	s1 =	sshll.u32 s1, $0x11  }
0xbb: {  	s0 =	sor.u32 s1, s0  }
0xbc: {  	s0 =	sadd.s32 $0x8F2B, s0  }
0xbd: {  	[sflag:s0] =	ssyncadd.remote.s32 $0x1  }
0xbe: {  	_ =	sfence.sel $0xFFFF  }
0xbf: {  	[dreg:$0x0] =	wrdreg $0xFFFFFFFF;
	(pc) =	sbr.abs _section_cstart, $3  }
0xc0: {  	[dreg:$0x1] =	wrdreg $0xFFFFFFFF  }
0xc1: {  	_ =	task.clear_ibuf [dreg:s7], $0x2FFFF;
	_ =	strace $0x9FFFFFFF  }
0xc2: {  	(tm) =	ssettm $0x7FFFFFFF  }
0xc3: {  	_ =	shalt  }
tec
execute0_lowered:
.L_overlay_start_1:
0x0: {  	(tag) =	ssettag $0x1  }
0x1: {  	s2 =	srdreg.scid;
	s1 =	rddreg [dreg:$0x0]  }
0x2: {  	s3 =	rddreg [dreg:$0x1];
	s4 =	sand.u32 $0x1, s2;
	s2 =	simm.s32 $0x0  }
0x3: {  	s23 =	simm.s32 $0x80;
	[smem:$0x7FF] =	sst s2  }
0x4: {  	s24 =	simm.s32 $0x900;
	_ =	strace $0x8000004A;
	[dreg:$0x7] =	wrdreg s23  }
0x5: {  	s25 =	simm.s32 $0x1100;
	[dreg:$0x8] =	wrdreg s24  }
0x6: {  	s0 =	stileid.u32;
	s26 =	simm.s32 $0x1900;
	[dreg:$0x9] =	wrdreg s25  }
0x7: {  	s5 =	sshll.u32 s0, $0x4;
	s0 =	simm.s32 $0x2100;
	[dreg:$0xa] =	wrdreg s26  }
0x8: {  	s8 =	simm.s32 $0x4100;
	[dreg:$0xb] =	wrdreg s0  }
0x9: {  	s9 =	simm.s32 $0x4900;
	[dreg:$0xf] =	wrdreg s8  }
0xa: {  	s10 =	simm.s32 $0x5100;
	[dreg:$0x10] =	wrdreg s9  }
0xb: {  	s11 =	simm.s32 $0x5900;
	[dreg:$0x11] =	wrdreg s10  }
0xc: {  	s12 =	simm.s32 $0x6100;
	[dreg:$0x12] =	wrdreg s11  }
0xd: {  	s13 =	simm.s32 $0x6900;
	[dreg:$0x13] =	wrdreg s12  }
0xe: {  	s14 =	simm.s32 $0x7100;
	s15 =	simm.s32 $0x7900;
	[dreg:$0x14] =	wrdreg s13  }
0xf: {  	s16 =	simm.s32 $0x8100;
	s17 =	simm.s32 $0x8900;
	[dreg:$0x15] =	wrdreg s14  }
0x10: {  	s18 =	simm.s32 $0x9100;
	s20 =	simm.s32 $0x9900;
	[dreg:$0x16] =	wrdreg s15  }
0x11: {  	s28 =	simm.s32 $0x15900;
	s29 =	simm.s32 $0x16100;
	[dreg:$0x17] =	wrdreg s16  }
0x12: {  	s30 =	simm.s32 $0x16900;
	s31 =	simm.s32 $0x17100;
	[dreg:$0x18] =	wrdreg s17  }
0x13: {  	s6 =	sshll.u32 s4, $0x3;
	s4 =	ssub.s32 $0x2, s4;
	[dreg:$0x19] =	wrdreg s18  }
0x14: {  	s5 =	sor.u32 s6, s5;
	s19 =	sshrl.u32 s4, $0x1;
	[dreg:$0x1a] =	wrdreg s20  }
0x15: {  	s23 =	simm.s32 $0xB100;
	s24 =	simm.s32 $0xB900;
	s25 =	simm.s32 $0xC900  }
0x16: {  	s8 =	simm.s32 $0x100;
	s26 =	simm.s32 $0xD100;
	s9 =	simm.s32 $0x1  }
0x17: {  	s10 =	simm.s32 $0xC100;
	s12 =	simm.s32 $0xE100;
	s13 =	simm.s32 $0xE900  }
0x18: {  	s14 =	simm.s32 $0xF100;
	s15 =	simm.s32 $0xF900;
	[dreg:$0x1d] =	wrdreg s23  }
0x19: {  	s16 =	simm.s32 $0x10100;
	s17 =	simm.s32 $0x10900;
	[dreg:$0x1e] =	wrdreg s24  }
0x1a: {  	s18 =	simm.s32 $0x11100;
	s6 =	sadd.s32 s5, s1;
	[dreg:$0x1f] =	wrdreg s25  }
0x1b: {  	s5 =	smul.u32 $0x300, s5;
	[smem:$0x7FD] =	sst s26;
	s7 =	sadd.s32 $0x12600, s6  }
0x1c: {  	s20 =	simm.s32 $0x12100;
	s6 =	sadd.s32 $0x12400, s6;
	[dreg:$0x3] =	wrdreg s7  }
0x1d: {  	s23 =	simm.s32 $0x13900;
	[dreg:$0x4] =	wrdreg s6;
	s3 =	sadd.s32 s3, s5  }
0x1e: {  	s21 =	sadd.s32 s5, s1;
	s5 =	simm.s32 $0x2900;
	[dreg:$0x5] =	wrdreg s3  }
0x1f: {  	s24 =	simm.s32 $0x14100;
	s6 =	simm.s32 $0x3100;
	[dreg:$0xc] =	wrdreg s5  }
0x20: {  	s25 =	simm.s32 $0x14900;
	s7 =	simm.s32 $0x3900;
	[dreg:$0xd] =	wrdreg s6  }
0x21: {  	s26 =	simm.s32 $0x15100;
	s22 =	sadd.s32 $0x9C800, s21;
	[dreg:$0xe] =	wrdreg s7  }
0x22: {  	s3 =	sadd.s32 $0x12800, s1;
	s6 =	ssub.s32 s4, s19;
	s21 =	simm.s32 $0xA100  }
0x23: {  	s4 =	sadd.s32 $0x12900, s1;
	s5 =	sadd.s32 $0x12A00, s1;
	s7 =	simm.s32 $0x2  }
0x24: {  	v2 =	vlaneseq.u32;
	s19 =	simm.s32 $0x11900;
	s1 =	simm.s32 $0x17900;
	[dreg:$0x6] =	wrdreg s22  }
0x25: {  	vm0 =	vmmov $0xffff;
	v1 =	vshrl.u32 v2, $0x3;
	[dreg:$0x1b] =	wrdreg s21;
	s22 =	simm.s32 $0xA900;
	s6 =	smax.u32 s6, $0x1  }
0x26: {  	v0 =	vand.u32 $0x7, v2;
	v2 =	vor.u32 $0x8, v2;
	v1 =	vmul.u32 $0x8, v1;
	s21 =	simm.s32 $0x12900;
	[dreg:$0x1c] =	wrdreg s22;
	s22 =	simm.s32 $0x13100  }
.LBB2_1:
0x27: {  	s0 =	rddreg [dreg:$0x3]  }
0x28: {  	[tilespmem:s2], [sflag:$0x2] =	stream.linear.gather [hbm4b:s0+s2], $0x40, $0x38;
	[tilespmem:$0x18100] =	vst v63  }
0x29: {  	_ =	swait.ge [sflag:s7], $0x40  }
0x2a: {  	s0 =	rddreg [dreg:$0x4];
	[sflag:s7] =	ssyncset.done $0x0  }
0x2b: {  	s11 =	rddreg [dreg:$0x7];
	[sflag:s7] =	ssyncadd.s32 $0xFFFFFFC0  }
0x2c: {  	[tilespmem:s11], [sflag:$0x2] =	stream.linear.gather [hbm4b:s0+s2], $0x40, $0x38;
	[tilespmem:$0x18100] =	vst v63  }
0x2d: {  	_ =	swait.ge [sflag:s7], $0x40  }
0x2e: {  	[sflag:s7] =	ssyncset.done $0x0  }
0x2f: {  	[sflag:s7] =	ssyncadd.s32 $0xFFFFFFC0  }
0x30: {  	v3 =	vld [tilespmem:$0x0];
	_ =	sdelay $0x4  }
0x31: {  	v4 =	vshrl.u32 v3, $0x3  }
0x32: {  	v4 =	vmul.u32 $0x30, v4  }
0x33: {  	v3 =	vand.u32 $0x7, v3  }
0x34: {  	v3 =	vor.u32 v3, v4  }
0x35: {  	v4 =	vperm.xlane v3, v0;
	_ =	sdelay $0x1  }
0x36: {  	v4 =	vadd.s32 v1, v4;
	_ =	sdelay $0x3  }
0x37: {  	v3 =	vperm.xlane v3, v2  }
0x38: {  	[tilespmem:s8], [sflag:$0x1] =	stream.indirect_vreg.gather [hbm4b:s3+s2], $0x80, v4, vm0, $0xb8;
	[tilespmem:$0x18100] =	vst v63  }
0x39: {  	s0 =	rddreg [dreg:$0x8];
	v3 =	vadd.s32 v1, v3  }
0x3a: {  	[tilespmem:s0], [sflag:$0x1] =	stream.indirect_vreg.gather [hbm4b:s4+s2], $0x80, v4, vm0, $0xb8;
	[tilespmem:$0x18100] =	vst v63  }
0x3b: {  	s11 =	rddreg [dreg:$0x9]  }
0x3c: {  	[tilespmem:s11], [sflag:$0x1] =	stream.indirect_vreg.gather [hbm4b:s5+s2], $0x80, v4, vm0, $0xb8;
	[tilespmem:$0x18100] =	vst v63  }
0x3d: {  	s0 =	rddreg [dreg:$0xa]  }
0x3e: {  	[tilespmem:s0], [sflag:$0x1] =	stream.indirect_vreg.gather [hbm4b:s3+s2], $0x80, v3, vm0, $0xb8;
	[tilespmem:$0x18100] =	vst v63  }
0x3f: {  	s11 =	rddreg [dreg:$0xb]  }
0x40: {  	[tilespmem:s11], [sflag:$0x1] =	stream.indirect_vreg.gather [hbm4b:s4+s2], $0x80, v3, vm0, $0xb8;
	[tilespmem:$0x18100] =	vst v63  }
0x41: {  	s0 =	rddreg [dreg:$0xc]  }
0x42: {  	[tilespmem:s0], [sflag:$0x1] =	stream.indirect_vreg.gather [hbm4b:s5+s2], $0x80, v3, vm0, $0xb8;
	[tilespmem:$0x18100] =	vst v63  }
0x43: {  	v3 =	vld [tilespmem:$0x10];
	_ =	sdelay $0x4  }
0x44: {  	v57 =	vshrl.u32 v3, $0x3  }
0x45: {  	v4 =	vmul.u32 $0x30, v57  }
0x46: {  	v3 =	vand.u32 $0x7, v3  }
0x47: {  	v3 =	vor.u32 v3, v4  }
0x48: {  	v4 =	vperm.xlane v3, v0;
	_ =	sdelay $0x1  }
0x49: {  	v4 =	vadd.s32 v1, v4;
	_ =	sdelay $0x3  }
0x4a: {  	s0 =	rddreg [dreg:$0xd];
	v3 =	vperm.xlane v3, v2  }
0x4b: {  	[tilespmem:s0], [sflag:$0x1] =	stream.indirect_vreg.gather [hbm4b:s3+s2], $0x80, v4, vm0, $0xb8;
	[tilespmem:$0x18100] =	vst v63  }
0x4c: {  	s11 =	rddreg [dreg:$0xe];
	v3 =	vadd.s32 v1, v3  }
0x4d: {  	[tilespmem:s11], [sflag:$0x1] =	stream.indirect_vreg.gather [hbm4b:s4+s2], $0x80, v4, vm0, $0xb8;
	[tilespmem:$0x18100] =	vst v63  }
0x4e: {  	s0 =	rddreg [dreg:$0xf]  }
0x4f: {  	[tilespmem:s0], [sflag:$0x1] =	stream.indirect_vreg.gather [hbm4b:s5+s2], $0x80, v4, vm0, $0xb8;
	[tilespmem:$0x18100] =	vst v63  }
0x50: {  	s11 =	rddreg [dreg:$0x10]  }
0x51: {  	[tilespmem:s11], [sflag:$0x1] =	stream.indirect_vreg.gather [hbm4b:s3+s2], $0x80, v3, vm0, $0xb8;
	[tilespmem:$0x18100] =	vst v63  }
0x52: {  	s0 =	rddreg [dreg:$0x11]  }
0x53: {  	[tilespmem:s0], [sflag:$0x1] =	stream.indirect_vreg.gather [hbm4b:s4+s2], $0x80, v3, vm0, $0xb8;
	[tilespmem:$0x18100] =	vst v63  }
0x54: {  	s11 =	rddreg [dreg:$0x12]  }
0x55: {  	[tilespmem:s11], [sflag:$0x1] =	stream.indirect_vreg.gather [hbm4b:s5+s2], $0x80, v3, vm0, $0xb8;
	[tilespmem:$0x18100] =	vst v63  }
0x56: {  	v3 =	vld [tilespmem:$0x20];
	_ =	sdelay $0x4  }
0x57: {  	v58 =	vshrl.u32 v3, $0x3  }
0x58: {  	v4 =	vmul.u32 $0x30, v58  }
0x59: {  	v3 =	vand.u32 $0x7, v3  }
0x5a: {  	v3 =	vor.u32 v3, v4  }
0x5b: {  	v4 =	vperm.xlane v3, v0;
	_ =	sdelay $0x1  }
0x5c: {  	v4 =	vadd.s32 v1, v4;
	_ =	sdelay $0x3  }
0x5d: {  	s0 =	rddreg [dreg:$0x13];
	v3 =	vperm.xlane v3, v2  }
0x5e: {  	[tilespmem:s0], [sflag:$0x1] =	stream.indirect_vreg.gather [hbm4b:s3+s2], $0x80, v4, vm0, $0xb8;
	[tilespmem:$0x18100] =	vst v63  }
0x5f: {  	s11 =	rddreg [dreg:$0x14];
	v3 =	vadd.s32 v1, v3  }
0x60: {  	[tilespmem:s11], [sflag:$0x1] =	stream.indirect_vreg.gather [hbm4b:s4+s2], $0x80, v4, vm0, $0xb8;
	[tilespmem:$0x18100] =	vst v63  }
0x61: {  	s0 =	rddreg [dreg:$0x15]  }
0x62: {  	[tilespmem:s0], [sflag:$0x1] =	stream.indirect_vreg.gather [hbm4b:s5+s2], $0x80, v4, vm0, $0xb8;
	[tilespmem:$0x18100] =	vst v63  }
0x63: {  	s11 =	rddreg [dreg:$0x16]  }
0x64: {  	[tilespmem:s11], [sflag:$0x1] =	stream.indirect_vreg.gather [hbm4b:s3+s2], $0x80, v3, vm0, $0xb8;
	[tilespmem:$0x18100] =	vst v63  }
0x65: {  	s0 =	rddreg [dreg:$0x17]  }
0x66: {  	[tilespmem:s0], [sflag:$0x1] =	stream.indirect_vreg.gather [hbm4b:s4+s2], $0x80, v3, vm0, $0xb8;
	[tilespmem:$0x18100] =	vst v63  }
0x67: {  	s11 =	rddreg [dreg:$0x18]  }
0x68: {  	[tilespmem:s11], [sflag:$0x1] =	stream.indirect_vreg.gather [hbm4b:s5+s2], $0x80, v3, vm0, $0xb8;
	[tilespmem:$0x18100] =	vst v63  }
0x69: {  	v3 =	vld [tilespmem:$0x30];
	_ =	sdelay $0x4  }
0x6a: {  	v59 =	vshrl.u32 v3, $0x3  }
0x6b: {  	v4 =	vmul.u32 $0x30, v59  }
0x6c: {  	v3 =	vand.u32 $0x7, v3  }
0x6d: {  	v3 =	vor.u32 v3, v4  }
0x6e: {  	v4 =	vperm.xlane v3, v0;
	_ =	sdelay $0x1  }
0x6f: {  	v4 =	vadd.s32 v1, v4;
	_ =	sdelay $0x3  }
0x70: {  	s0 =	rddreg [dreg:$0x19];
	v3 =	vperm.xlane v3, v2  }
0x71: {  	[tilespmem:s0], [sflag:$0x1] =	stream.indirect_vreg.gather [hbm4b:s3+s2], $0x80, v4, vm0, $0xb8;
	[tilespmem:$0x18100] =	vst v63  }
0x72: {  	s11 =	rddreg [dreg:$0x1a];
	v3 =	vadd.s32 v1, v3  }
0x73: {  	[tilespmem:s11], [sflag:$0x1] =	stream.indirect_vreg.gather [hbm4b:s4+s2], $0x80, v4, vm0, $0xb8;
	[tilespmem:$0x18100] =	vst v63  }
0x74: {  	s0 =	rddreg [dreg:$0x1b]  }
0x75: {  	[tilespmem:s0], [sflag:$0x1] =	stream.indirect_vreg.gather [hbm4b:s5+s2], $0x80, v4, vm0, $0xb8;
	[tilespmem:$0x18100] =	vst v63  }
0x76: {  	s11 =	rddreg [dreg:$0x1c]  }
0x77: {  	[tilespmem:s11], [sflag:$0x1] =	stream.indirect_vreg.gather [hbm4b:s3+s2], $0x80, v3, vm0, $0xb8;
	[tilespmem:$0x18100] =	vst v63  }
0x78: {  	s0 =	rddreg [dreg:$0x1d]  }
0x79: {  	[tilespmem:s0], [sflag:$0x1] =	stream.indirect_vreg.gather [hbm4b:s4+s2], $0x80, v3, vm0, $0xb8;
	[tilespmem:$0x18100] =	vst v63  }
0x7a: {  	s11 =	rddreg [dreg:$0x1e]  }
0x7b: {  	[tilespmem:s11], [sflag:$0x1] =	stream.indirect_vreg.gather [hbm4b:s5+s2], $0x80, v3, vm0, $0xb8;
	[tilespmem:$0x18100] =	vst v63  }
0x7c: {  	_ =	swait.ge [sflag:s9], $0xC000  }
0x7d: {  	[sflag:s9] =	ssyncset.done $0x0  }
0x7e: {  	[sflag:s9] =	ssyncadd.s32 $0xFFFF4000  }
0x7f: {  	v3 =	vld [tilespmem:$0x80];
	_ =	sdelay $0x4  }
0x80: {  	v60 =	vshrl.u32 v3, $0x3  }
0x81: {  	v4 =	vmul.u32 $0x30, v60  }
0x82: {  	v3 =	vand.u32 $0x7, v3  }
0x83: {  	v3 =	vor.u32 v3, v4  }
0x84: {  	v4 =	vperm.xlane v3, v0;
	_ =	sdelay $0x1  }
0x85: {  	v4 =	vadd.s32 v1, v4;
	_ =	sdelay $0x3  }
0x86: {  	s0 =	rddreg [dreg:$0x1f];
	v3 =	vperm.xlane v3, v2  }
0x87: {  	[tilespmem:s10], [sflag:$0x1] =	stream.indirect_vreg.gather [hbm4b:s3+s2], $0x80, v4, vm0, $0xb8;
	[tilespmem:$0x18100] =	vst v63  }
0x88: {  	s11 =	sld [smem:$0x7FD];
	v3 =	vadd.s32 v1, v3  }
0x89: {  	[tilespmem:s0], [sflag:$0x1] =	stream.indirect_vreg.gather [hbm4b:s4+s2], $0x80, v4, vm0, $0xb8;
	[tilespmem:$0x18100] =	vst v63  }
0x8a: {  	_ = 	snop  }
0x8b: {  	[tilespmem:s11], [sflag:$0x1] =	stream.indirect_vreg.gather [hbm4b:s5+s2], $0x80, v4, vm0, $0xb8;
	[tilespmem:$0x18100] =	vst v63  }
0x8c: {  	s11 =	simm.s32 $0xD900  }
0x8d: {  	[tilespmem:s11], [sflag:$0x1] =	stream.indirect_vreg.gather [hbm4b:s3+s2], $0x80, v3, vm0, $0xb8;
	[tilespmem:$0x18100] =	vst v63  }
0x8e: {  	_ = 	snop  }
0x8f: {  	[tilespmem:s12], [sflag:$0x1] =	stream.indirect_vreg.gather [hbm4b:s4+s2], $0x80, v3, vm0, $0xb8;
	[tilespmem:$0x18100] =	vst v63  }
0x90: {  	_ = 	snop  }
0x91: {  	[tilespmem:s13], [sflag:$0x1] =	stream.indirect_vreg.gather [hbm4b:s5+s2], $0x80, v3, vm0, $0xb8;
	[tilespmem:$0x18100] =	vst v63  }
0x92: {  	v3 =	vld [tilespmem:$0x90];
	_ =	sdelay $0x4  }
0x93: {  	v61 =	vshrl.u32 v3, $0x3  }
0x94: {  	v4 =	vmul.u32 $0x30, v61  }
0x95: {  	v3 =	vand.u32 $0x7, v3  }
0x96: {  	v3 =	vor.u32 v3, v4  }
0x97: {  	v4 =	vperm.xlane v3, v0;
	_ =	sdelay $0x1  }
0x98: {  	v4 =	vadd.s32 v1, v4;
	_ =	sdelay $0x3  }
0x99: {  	v3 =	vperm.xlane v3, v2  }
0x9a: {  	[tilespmem:s14], [sflag:$0x1] =	stream.indirect_vreg.gather [hbm4b:s3+s2], $0x80, v4, vm0, $0xb8;
	[tilespmem:$0x18100] =	vst v63  }
0x9b: {  	v3 =	vadd.s32 v1, v3  }
0x9c: {  	[tilespmem:s15], [sflag:$0x1] =	stream.indirect_vreg.gather [hbm4b:s4+s2], $0x80, v4, vm0, $0xb8;
	[tilespmem:$0x18100] =	vst v63  }
0x9d: {  	_ = 	snop  }
0x9e: {  	[tilespmem:s16], [sflag:$0x1] =	stream.indirect_vreg.gather [hbm4b:s5+s2], $0x80, v4, vm0, $0xb8;
	[tilespmem:$0x18100] =	vst v63  }
0x9f: {  	_ = 	snop  }
0xa0: {  	[tilespmem:s17], [sflag:$0x1] =	stream.indirect_vreg.gather [hbm4b:s3+s2], $0x80, v3, vm0, $0xb8;
	[tilespmem:$0x18100] =	vst v63  }
0xa1: {  	_ = 	snop  }
0xa2: {  	[tilespmem:s18], [sflag:$0x1] =	stream.indirect_vreg.gather [hbm4b:s4+s2], $0x80, v3, vm0, $0xb8;
	[tilespmem:$0x18100] =	vst v63  }
0xa3: {  	_ = 	snop  }
0xa4: {  	[tilespmem:s19], [sflag:$0x1] =	stream.indirect_vreg.gather [hbm4b:s5+s2], $0x80, v3, vm0, $0xb8;
	[tilespmem:$0x18100] =	vst v63  }
0xa5: {  	v3 =	vld [tilespmem:$0xA0];
	_ =	sdelay $0x4  }
0xa6: {  	v62 =	vshrl.u32 v3, $0x3  }
0xa7: {  	v4 =	vmul.u32 $0x30, v62  }
0xa8: {  	v3 =	vand.u32 $0x7, v3  }
0xa9: {  	v3 =	vor.u32 v3, v4  }
0xaa: {  	v4 =	vperm.xlane v3, v0;
	_ =	sdelay $0x1  }
0xab: {  	v4 =	vadd.s32 v1, v4;
	_ =	sdelay $0x3  }
0xac: {  	v3 =	vperm.xlane v3, v2  }
0xad: {  	[tilespmem:s20], [sflag:$0x1] =	stream.indirect_vreg.gather [hbm4b:s3+s2], $0x80, v4, vm0, $0xb8;
	[tilespmem:$0x18100] =	vst v63  }
0xae: {  	v3 =	vadd.s32 v1, v3  }
0xaf: {  	[tilespmem:s21], [sflag:$0x1] =	stream.indirect_vreg.gather [hbm4b:s4+s2], $0x80, v4, vm0, $0xb8;
	[tilespmem:$0x18100] =	vst v63  }
0xb0: {  	_ = 	snop  }
0xb1: {  	[tilespmem:s22], [sflag:$0x1] =	stream.indirect_vreg.gather [hbm4b:s5+s2], $0x80, v4, vm0, $0xb8;
	[tilespmem:$0x18100] =	vst v63  }
0xb2: {  	_ = 	snop  }
0xb3: {  	[tilespmem:s23], [sflag:$0x1] =	stream.indirect_vreg.gather [hbm4b:s3+s2], $0x80, v3, vm0, $0xb8;
	[tilespmem:$0x18100] =	vst v63  }
0xb4: {  	_ = 	snop  }
0xb5: {  	[tilespmem:s24], [sflag:$0x1] =	stream.indirect_vreg.gather [hbm4b:s4+s2], $0x80, v3, vm0, $0xb8;
	[tilespmem:$0x18100] =	vst v63  }
0xb6: {  	_ = 	snop  }
0xb7: {  	[tilespmem:s25], [sflag:$0x1] =	stream.indirect_vreg.gather [hbm4b:s5+s2], $0x80, v3, vm0, $0xb8;
	[tilespmem:$0x18100] =	vst v63  }
0xb8: {  	v3 =	vld [tilespmem:$0xB0];
	_ =	sdelay $0x4  }
0xb9: {  	v63 =	vshrl.u32 v3, $0x3  }
0xba: {  	v4 =	vmul.u32 $0x30, v63  }
0xbb: {  	v3 =	vand.u32 $0x7, v3  }
0xbc: {  	v3 =	vor.u32 v3, v4  }
0xbd: {  	v4 =	vperm.xlane v3, v0;
	_ =	sdelay $0x1  }
0xbe: {  	v4 =	vadd.s32 v1, v4;
	_ =	sdelay $0x3  }
0xbf: {  	v3 =	vperm.xlane v3, v2  }
0xc0: {  	[tilespmem:s26], [sflag:$0x1] =	stream.indirect_vreg.gather [hbm4b:s3+s2], $0x80, v4, vm0, $0xb8;
	[tilespmem:$0x18100] =	vst v63  }
0xc1: {  	v3 =	vadd.s32 v1, v3  }
0xc2: {  	[tilespmem:s28], [sflag:$0x1] =	stream.indirect_vreg.gather [hbm4b:s4+s2], $0x80, v4, vm0, $0xb8;
	[tilespmem:$0x18100] =	vst v63  }
0xc3: {  	_ = 	snop  }
0xc4: {  	[tilespmem:s29], [sflag:$0x1] =	stream.indirect_vreg.gather [hbm4b:s5+s2], $0x80, v4, vm0, $0xb8;
	[tilespmem:$0x18100] =	vst v63  }
0xc5: {  	_ = 	snop  }
0xc6: {  	[tilespmem:s30], [sflag:$0x1] =	stream.indirect_vreg.gather [hbm4b:s3+s2], $0x80, v3, vm0, $0xb8;
	[tilespmem:$0x18100] =	vst v63  }
0xc7: {  	_ = 	snop  }
0xc8: {  	[tilespmem:s31], [sflag:$0x1] =	stream.indirect_vreg.gather [hbm4b:s4+s2], $0x80, v3, vm0, $0xb8;
	[tilespmem:$0x18100] =	vst v63  }
0xc9: {  	_ = 	snop  }
0xca: {  	[tilespmem:s1], [sflag:$0x1] =	stream.indirect_vreg.gather [hbm4b:s5+s2], $0x80, v3, vm0, $0xb8;
	[tilespmem:$0x18100] =	vst v63  }
0xcb: {  	_ =	swait.ge [sflag:s9], $0xC000  }
0xcc: {  	[sflag:s9] =	ssyncset.done $0x0  }
0xcd: {  	s11 =	rddreg [dreg:$0x5];
	[sflag:s9] =	ssyncadd.s32 $0xFFFF4000  }
0xce: {  	[hbm4b:s11+s2] =	stream.linear.scatter [tilespmem:s8], [sflag:$0x2], $0xC000, $0x38;
	[tilespmem:$0x18100] =	vst v63  }
0xcf: {  	_ =	swait.ge [sflag:s7], $0xC000  }
0xd0: {  	p0 =	sne.s32 s6, $0x1;
	[sflag:s7] =	ssyncset.done $0x0  }
.Ltmp0:
0xd1: {  	s11 =	rddreg [dreg:$0x6];
	[sflag:s7] =	ssyncadd.s32 $0xFFFF4000;
	(pc) =	sbr.rel @p0 .LBB2_1-.Ltmp0, $4  }
0xd2: {  	[hbm4b:s11+s2] =	stream.linear.scatter [tilespmem:s10], [sflag:$0x2], $0xC000, $0x38;
	[tilespmem:$0x18100] =	vst v63  }
0xd3: {  	_ =	swait.ge [sflag:s7], $0xC000  }
0xd4: {  	[sflag:s7] =	ssyncset.done $0x0  }
0xd5: {  	s6 =	sadd.s32 $0xFFFFFFFF, s6;
	[sflag:s7] =	ssyncadd.s32 $0xFFFF4000  }
0xd6: {  	_ =	sfence.sel $0x180000  }
0xd7: {  	[bflag:$0x0] =	sbarrier.arrive $0xFFFF  }
0xd8: {  	_ =	strace $0x9000004A  }
0xd9: {  	s0 =	stileid.u32;
	[bflag:$0x2] =	sbarrier.arrive $0xFFFF  }
0xda: {  	p0 =	sne.s32 s0, $0x0;
	s0 =	rddreg [dreg:$0x2]  }
0xdb: {  	s0 =	sadd.s32 @!p0 $0x100000, s0  }
0xdc: {  	[sflag:s0] =	ssyncadd.tile.s32 @!p0 $0x1;
	_ =	shalt  }
.Lfunc_end2:
_tile_overlayer_lowered:
.L_overlay_start_2:
0xdd: {  	(tag) =	ssettag $0x2  }
0xde: {  	s0 =	rddreg [dreg:$0x0];
	s2 =	stileid.u32  }
0xdf: {  	s1 =	rddreg [dreg:$0x1];
	p0 =	sne.s32 s2, $0x0  }
0xe0: {  	s3 =	rddreg [dreg:$0x2];
	[bflag:$0x3] =	sbarrier.arrive $0xFFFF;
	s2 =	simm.s32 @!p0 $0x1C02  }
0xe1: {  	[timem:s3], [sflag:s2] =	dma.local @!p0 [hbm:s0], s1  }
0xe2: {  	s0 =	simm.s32 @!p0 $0x2  }
0xe3: {  	_ =	swait.ge @!p0 [sflag:s0], s1  }
0xe4: {  	s1 =	ssub.s32 @!p0 $0x0, s1;
	[sflag:s0] =	ssyncset.done @!p0 $0x0  }
0xe5: {  	[sflag:s0] =	ssyncadd.s32 @!p0 s1  }
0xe6: {  	[bflag:$0x3] =	sbarrier.arrive $0xFFFF  }
0xe7: {  	_ =	shalt  }

</sc_bundles>
